<compile_context>
chip_gen: v7x
topology: tpu7x:2x2x1
jax: 0.10.2.dev20260603
libtpu: 0.0.44.dev20260713+nightly
codegen_flags: <defaults>
</compile_context>

<pallas_src>
import functools

import jax
import jax.numpy as jnp
from jax import lax
from jax.experimental import pallas as pl
from jax.experimental.pallas import tpu as pltpu
from jax.experimental.pallas import tpu_sc as plsc

N_TOK = 16384
DIM = 256
MAX_N = 2048
NB = 16
BLK = 256
KMAX = N_TOK // BLK
IBLK = 512
JBLK = 2048
XS_ROWS = N_TOK + 2 * BLK
WMAX = NB + KMAX
JR = 512
NIB = N_TOK // IBLK
EPS = 1e-5


def _ln_tanh(h, g, beta):
    mu = jnp.mean(h, axis=-1, keepdims=True)
    var = jnp.mean((h - mu) ** 2, axis=-1, keepdims=True)
    return jnp.tanh((h - mu) * lax.rsqrt(var + EPS) * g + beta)


def _prep_kernel(x_ref, bR_ref, rw_ref, rb_ref,
                 mag_ref, n_ref, st_ref, adj_ref, wseg_ref, wblk_ref,
                 jlo_ref, jhi_ref):
    mag_ref[...] = jnp.dot(x_ref[...], rw_ref[...],
                           preferred_element_type=jnp.float32) + rb_ref[...]
    segs = lax.broadcasted_iota(jnp.int32, (NB, 1), 0)
    bj = bR_ref[...]
    n_ref[...] = jnp.sum((bj == segs).astype(jnp.float32), axis=1,
                         keepdims=True).astype(jnp.int32)
    nf = jnp.sum((bj == segs).astype(jnp.float32), axis=1, keepdims=True)
    starts = jnp.sum((bj < segs).astype(jnp.float32), axis=1, keepdims=True)
    pad_n = jnp.ceil(nf / 8.0) * 8.0
    segs_r = lax.broadcasted_iota(jnp.int32, (1, NB), 1)
    tri = (segs > segs_r).astype(jnp.float32)
    astart = jnp.dot(tri, pad_n, preferred_element_type=jnp.float32)
    st_ref[...] = astart.astype(jnp.int32)
    adj_ref[...] = astart - starts
    nblk = jnp.maximum(jnp.ceil(nf / BLK), 1.0)
    incl = (segs >= segs_r).astype(jnp.float32)
    cum = jnp.dot(incl, nblk, preferred_element_type=jnp.float32)
    w_row = lax.broadcasted_iota(jnp.int32, (1, WMAX), 1).astype(jnp.float32)
    wseg = jnp.sum((cum <= w_row).astype(jnp.float32), axis=0,
                   keepdims=True)
    oh_w = (segs.astype(jnp.float32) == wseg).astype(jnp.float32)
    cumexc = cum - nblk
    wblk = w_row - jnp.sum(oh_w * cumexc, axis=0, keepdims=True)
    wseg_ref[...] = wseg.astype(jnp.int32)
    wblk_ref[...] = wblk.astype(jnp.int32)
    i0_row = lax.broadcasted_iota(jnp.int32, (1, NIB), 1).astype(jnp.float32) * IBLK
    lo_tok = jnp.max(jnp.where(starts <= i0_row, starts, 0.0), axis=0,
                     keepdims=True)
    ends = starts + nf
    hi_tok = jnp.min(jnp.where(ends >= i0_row + IBLK, ends, float(N_TOK)),
                     axis=0, keepdims=True)
    jlo_ref[...] = jnp.floor(lo_tok / JR).astype(jnp.int32)
    jhi_ref[...] = jnp.ceil(hi_tok / JR).astype(jnp.int32)


def _prep_call(x, batch_row, rank_W, rank_b):
    return pl.pallas_call(
        _prep_kernel,
        out_shape=(
            jax.ShapeDtypeStruct((N_TOK, 1), jnp.float32),
            jax.ShapeDtypeStruct((NB, 1), jnp.int32),
            jax.ShapeDtypeStruct((NB, 1), jnp.int32),
            jax.ShapeDtypeStruct((NB, 1), jnp.float32),
            jax.ShapeDtypeStruct((1, WMAX), jnp.int32),
            jax.ShapeDtypeStruct((1, WMAX), jnp.int32),
            jax.ShapeDtypeStruct((1, NIB), jnp.int32),
            jax.ShapeDtypeStruct((1, NIB), jnp.int32),
        ),
    )(x, batch_row, rank_W, rank_b.reshape(1, 1))


def _table_kernel(w1p_ref, b1_ref, g_ref, be_ref, w2_ref, b2_ref, tab_ref):
    h = _ln_tanh(w1p_ref[...] + b1_ref[...], g_ref[...], be_ref[...])
    tab_ref[...] = jnp.dot(h.astype(jnp.bfloat16), w2_ref[...],
                           preferred_element_type=jnp.float32) + b2_ref[...]


def _table_call(w1pad, p):
    hid = w1pad.shape[1]
    return pl.pallas_call(
        _table_kernel,
        out_shape=jax.ShapeDtypeStruct((MAX_N + BLK, DIM), jnp.float32),
    )(w1pad, p["b1"].reshape(1, hid), p["g"].reshape(1, hid),
      p["beta"].reshape(1, hid), p["W2"].astype(jnp.bfloat16),
      p["b2"].reshape(1, DIM))


def _rank_kernel(jlo_s, jhi_s, magC_ref, magR_ref, bC_ref, bR_ref,
                 adj_ref, dst_ref):
    i = pl.program_id(0)
    i0 = pl.multiple_of(i * IBLK, IBLK)
    mi = magC_ref[pl.ds(i0, IBLK), :]
    bi = bC_ref[pl.ds(i0, IBLK), :]
    ii = i0 + lax.broadcasted_iota(jnp.int32, (IBLK, 1), 0)
    lo = jlo_s[i]
    acc = jnp.full((IBLK, 1), 0.0, jnp.float32) + (lo * JR).astype(jnp.float32)

    def body(c, acc):
        j0 = pl.multiple_of(c * JR, JR)
        mj = magR_ref[:, pl.ds(j0, JR)]
        bj = bR_ref[:, pl.ds(j0, JR)]
        jj = j0 + lax.broadcasted_iota(jnp.int32, (1, JR), 1)
        cond = (bj < bi) | ((bj == bi) &
                            ((mj < mi) | ((mj == mi) & (jj < ii))))
        return acc + jnp.sum(cond.astype(jnp.float32), axis=1, keepdims=True)

    acc = lax.fori_loop(lo, jhi_s[i], body, acc)
    segs_r = lax.broadcasted_iota(jnp.int32, (1, NB), 1)
    oh = (bi == segs_r).astype(jnp.float32)
    acc = acc + jnp.dot(oh, adj_ref[...], preferred_element_type=jnp.float32)
    dst_ref[...] = acc.astype(jnp.int32)


def _rank_call(jlo, jhi, mag_col, mag_row, batch_col, batch_row, adj):
    full = lambda *_: (0, 0)
    grid_spec = pltpu.PrefetchScalarGridSpec(
        num_scalar_prefetch=2,
        grid=(NIB,),
        in_specs=[
            pl.BlockSpec((N_TOK, 1), full),
            pl.BlockSpec((1, N_TOK), full),
            pl.BlockSpec((N_TOK, 1), full),
            pl.BlockSpec((1, N_TOK), full),
            pl.BlockSpec((NB, 1), full),
        ],
        out_specs=pl.BlockSpec((IBLK, 1), lambda i, *_: (i, 0)),
    )
    return pl.pallas_call(
        _rank_kernel, grid_spec=grid_spec,
        out_shape=jax.ShapeDtypeStruct((N_TOK, 1), jnp.int32),
    )(jlo, jhi, mag_col, mag_row, batch_col, batch_row, adj)


_SC_CHUNK = 128


def _sc_scatter(x, dst):
    info = plsc.get_sparse_core_info()
    nc, ns = info.num_cores, info.num_subcores
    nw = nc * ns
    rows_per_w = N_TOK // nw
    nchunk = rows_per_w // _SC_CHUNK
    mesh = plsc.VectorSubcoreMesh(core_axis_name="c", subcore_axis_name="s")

    @functools.partial(
        pl.kernel, mesh=mesh,
        out_type=jax.ShapeDtypeStruct((XS_ROWS, DIM), jnp.float32),
        scratch_types=[
            pltpu.VMEM((_SC_CHUNK,), jnp.int32),
            pltpu.VMEM((_SC_CHUNK, DIM), jnp.float32),
            pltpu.SemaphoreType.DMA,
        ],
    )
    def scatter(x_hbm, dst_hbm, out_hbm, idx_v, rows_v, sem):
        wid = lax.axis_index("s") * nc + lax.axis_index("c")
        for c in range(nchunk):
            base = wid * rows_per_w + c * _SC_CHUNK
            pltpu.sync_copy(dst_hbm.at[pl.ds(base, _SC_CHUNK)], idx_v)
            pltpu.sync_copy(x_hbm.at[pl.ds(base, _SC_CHUNK)], rows_v)
            pltpu.async_copy(rows_v, out_hbm.at[idx_v], sem).wait()

    return scatter(x, dst)


def _ds_kernel(n_s, st_s, wseg_s, wblk_s, xs_ref, tab_ref, w1_ref, b1_ref,
               g_ref, be_ref, w2_ref, b2_ref, z_ref):
    w = pl.program_id(0)
    b = wseg_s[w]
    k = wblk_s[w]
    valid = b < NB
    nb = n_s[jnp.minimum(b, NB - 1)]

    @pl.when(valid & (k == 0))
    def _init():
        z_ref[...] = jnp.zeros_like(z_ref)

    @pl.when(valid & (k * BLK < nb))
    def _work():
        tok0 = pl.multiple_of(st_s[jnp.minimum(b, NB - 1)] + k * BLK, 8)
        xb = xs_ref[pl.ds(tok0, BLK), :]
        h = jnp.dot(xb.astype(jnp.bfloat16), w1_ref[...],
                    preferred_element_type=jnp.float32) + b1_ref[...]
        v = jnp.dot(_ln_tanh(h, g_ref[...], be_ref[...]).astype(jnp.bfloat16),
                    w2_ref[...],
                    preferred_element_type=jnp.float32) + b2_ref[...]
        t0 = pl.multiple_of(jnp.minimum(k * BLK, MAX_N), BLK)
        tb = tab_ref[pl.ds(t0, BLK), :]
        rows = lax.broadcasted_iota(jnp.int32, (BLK, 1), 0)
        y1 = jnp.where(rows < nb - k * BLK, v * tb, 0.0)
        z_ref[...] += jnp.sum(y1, axis=0, keepdims=True)[None]


def _ds_call(n16, st16, wseg, wblk, xs, table, p):
    full = lambda *_: (0, 0)
    grid_spec = pltpu.PrefetchScalarGridSpec(
        num_scalar_prefetch=4,
        grid=(WMAX,),
        in_specs=[
            pl.BlockSpec((XS_ROWS, DIM), full),
            pl.BlockSpec((MAX_N + BLK, DIM), full),
            pl.BlockSpec((DIM, DIM), full),
            pl.BlockSpec((1, DIM), full),
            pl.BlockSpec((1, DIM), full),
            pl.BlockSpec((1, DIM), full),
            pl.BlockSpec((DIM, DIM), full),
            pl.BlockSpec((1, DIM), full),
        ],
        out_specs=pl.BlockSpec(
            (1, 1, DIM),
            lambda w, n_s, st_s, wseg_s, wblk_s: (
                jnp.minimum(wseg_s[w], NB - 1), 0, 0)),
    )
    return pl.pallas_call(
        _ds_kernel, grid_spec=grid_spec,
        out_shape=jax.ShapeDtypeStruct((NB, 1, DIM), jnp.float32),
    )(n16, st16, wseg, wblk, xs, table, p["W1"].astype(jnp.bfloat16),
      p["b1"].reshape(1, DIM),
      p["g"].reshape(1, DIM), p["beta"].reshape(1, DIM),
      p["W2"].astype(jnp.bfloat16),
      p["b2"].reshape(1, DIM))


HID_V = 384
HID_K = 1280


def _main_kernel(n_s, st_s, wseg_s, wblk_s, xs_ref, zds_ref,
                 w1vt_ref, w1vb_ref, b1v_ref, gv_ref, bev_ref, w2v_ref, b2v_ref,
                 w1kp_ref, w1kb_ref, b1k_ref, gk_ref, bek_ref, w2k_ref, b2k_ref,
                 cw_ref, cb_ref, out_ref, zv_s, zk_s):
    w = pl.program_id(0)
    b = wseg_s[w]
    k = wblk_s[w]
    valid = b < NB
    nb = n_s[jnp.minimum(b, NB - 1)]

    @pl.when(valid & (k == 0))
    def _init():
        segs_r = lax.broadcasted_iota(jnp.int32, (1, NB), 1)
        zrow = jnp.dot((segs_r == b).astype(jnp.float32), zds_ref[...],
                       preferred_element_type=jnp.float32)
        zv_s[...] = jnp.dot(zrow, w1vb_ref[...], preferred_element_type=jnp.float32)
        zk_s[...] = jnp.dot(zrow, w1kb_ref[...], preferred_element_type=jnp.float32)
        out_ref[...] = (nb.astype(jnp.float32) * cw_ref[...] + cb_ref[...])[None]

    @pl.when(valid & (k * BLK < nb))
    def _work():
        tok0 = pl.multiple_of(st_s[jnp.minimum(b, NB - 1)] + k * BLK, 8)
        xb = xs_ref[pl.ds(tok0, BLK), :]
        hv = (jnp.dot(xb.astype(jnp.bfloat16), w1vt_ref[...],
                      preferred_element_type=jnp.float32)
              + zv_s[...] + b1v_ref[...])
        val = jnp.dot(_ln_tanh(hv, gv_ref[...], bev_ref[...]).astype(jnp.bfloat16),
                      w2v_ref[...],
                      preferred_element_type=jnp.float32) + b2v_ref[...]
        t0 = pl.multiple_of(jnp.minimum(k * BLK, MAX_N), BLK)
        hk = w1kp_ref[pl.ds(t0, BLK), :] + zk_s[...] + b1k_ref[...]
        key = jnp.dot(_ln_tanh(hk, gk_ref[...], bek_ref[...]).astype(jnp.bfloat16),
                      w2k_ref[...],
                      preferred_element_type=jnp.float32) + b2k_ref[...]
        rows = lax.broadcasted_iota(jnp.int32, (BLK, 1), 0)
        y = jnp.where(rows < nb - k * BLK, val * key, 0.0)
        out_ref[...] += jnp.sum(y, axis=0, keepdims=True)[None]


def _main_call(n16, st16, wseg, wblk, xs, z_ds, w1kpad, pv, pk, card_W,
               card_b):
    full = lambda *_: (0, 0)
    grid_spec = pltpu.PrefetchScalarGridSpec(
        num_scalar_prefetch=4,
        grid=(WMAX,),
        in_specs=[
            pl.BlockSpec((XS_ROWS, DIM), full),
            pl.BlockSpec((NB, DIM), full),
            pl.BlockSpec((DIM, HID_V), full),
            pl.BlockSpec((DIM, HID_V), full),
            pl.BlockSpec((1, HID_V), full),
            pl.BlockSpec((1, HID_V), full),
            pl.BlockSpec((1, HID_V), full),
            pl.BlockSpec((HID_V, DIM), full),
            pl.BlockSpec((1, DIM), full),
            pl.BlockSpec((MAX_N + BLK, HID_K), full),
            pl.BlockSpec((DIM, HID_K), full),
            pl.BlockSpec((1, HID_K), full),
            pl.BlockSpec((1, HID_K), full),
            pl.BlockSpec((1, HID_K), full),
            pl.BlockSpec((HID_K, DIM), full),
            pl.BlockSpec((1, DIM), full),
            pl.BlockSpec((1, DIM), full),
            pl.BlockSpec((1, DIM), full),
        ],
        out_specs=pl.BlockSpec(
            (1, 1, DIM),
            lambda w, n_s, st_s, wseg_s, wblk_s: (
                jnp.minimum(wseg_s[w], NB - 1), 0, 0)),
        scratch_shapes=[
            pltpu.VMEM((1, HID_V), jnp.float32),
            pltpu.VMEM((1, HID_K), jnp.float32),
        ],
    )
    return pl.pallas_call(
        _main_kernel, grid_spec=grid_spec,
        out_shape=jax.ShapeDtypeStruct((NB, 1, DIM), jnp.float32),
    )(n16, st16, wseg, wblk, xs, z_ds,
      pv["W1"][:DIM].astype(jnp.bfloat16), pv["W1"][DIM:],
      pv["b1"].reshape(1, HID_V),
      pv["g"].reshape(1, HID_V), pv["beta"].reshape(1, HID_V),
      pv["W2"].astype(jnp.bfloat16),
      pv["b2"].reshape(1, DIM),
      w1kpad, pk["W1"][MAX_N:], pk["b1"].reshape(1, HID_K),
      pk["g"].reshape(1, HID_K), pk["beta"].reshape(1, HID_K),
      pk["W2"].astype(jnp.bfloat16),
      pk["b2"].reshape(1, DIM),
      card_W, card_b.reshape(1, DIM))



def _fused_kernel(n_s, st_s, wseg_s, wblk_s, xs_ref, tab_ref,
                  w1d_ref, b1d_ref, gd_ref, bed_ref, w2d_ref, b2d_ref,
                  w1vt_ref, w1vb_ref, b1v_ref, gv_ref, bev_ref, w2v_ref,
                  b2v_ref, w1kp_ref, w1kb_ref, b1k_ref, gk_ref, bek_ref,
                  w2k_ref, b2k_ref, cw_ref, cb_ref,
                  out_ref, z_scr, zv_s, zk_s):
    p = pl.program_id(0)
    w = pl.program_id(1)
    b = wseg_s[w]
    k = wblk_s[w]
    valid = b < NB
    bc = jnp.minimum(b, NB - 1)
    nb = n_s[bc]
    segs = lax.broadcasted_iota(jnp.int32, (NB, 1), 0)
    segs_r = lax.broadcasted_iota(jnp.int32, (1, NB), 1)

    @pl.when((p == 0) & (w == 0))
    def _zinit():
        z_scr[...] = jnp.zeros_like(z_scr)

    @pl.when((p == 0) & valid & (k * BLK < nb))
    def _deepset():
        tok0 = pl.multiple_of(st_s[bc] + k * BLK, 8)
        xb = xs_ref[pl.ds(tok0, BLK), :]
        h = jnp.dot(xb.astype(jnp.bfloat16), w1d_ref[...],
                    preferred_element_type=jnp.float32) + b1d_ref[...]
        v = jnp.dot(_ln_tanh(h, gd_ref[...], bed_ref[...]).astype(jnp.bfloat16),
                    w2d_ref[...],
                    preferred_element_type=jnp.float32) + b2d_ref[...]
        t0 = pl.multiple_of(jnp.minimum(k * BLK, MAX_N), BLK)
        tb = tab_ref[pl.ds(t0, BLK), :]
        rows = lax.broadcasted_iota(jnp.int32, (BLK, 1), 0)
        y1 = jnp.where(rows < nb - k * BLK, v * tb, 0.0)
        zrow = jnp.sum(y1, axis=0, keepdims=True)
        z_scr[...] += jnp.where(segs == b, zrow, 0.0)

    @pl.when((p == 1) & valid & (k == 0))
    def _init():
        zrow = jnp.dot((segs_r == b).astype(jnp.float32), z_scr[...],
                       preferred_element_type=jnp.float32)
        zv_s[...] = jnp.dot(zrow, w1vb_ref[...],
                            preferred_element_type=jnp.float32)
        zk_s[...] = jnp.dot(zrow, w1kb_ref[...],
                            preferred_element_type=jnp.float32)
        out_ref[...] = (nb.astype(jnp.float32) * cw_ref[...]
                        + cb_ref[...])[None, None]

    @pl.when((p == 1) & valid & (k * BLK < nb))
    def _main():
        tok0 = pl.multiple_of(st_s[bc] + k * BLK, 8)
        xb = xs_ref[pl.ds(tok0, BLK), :]
        hv = (jnp.dot(xb.astype(jnp.bfloat16), w1vt_ref[...],
                      preferred_element_type=jnp.float32)
              + zv_s[...] + b1v_ref[...])
        val = jnp.dot(_ln_tanh(hv, gv_ref[...], bev_ref[...]).astype(jnp.bfloat16),
                      w2v_ref[...],
                      preferred_element_type=jnp.float32) + b2v_ref[...]
        t0 = pl.multiple_of(jnp.minimum(k * BLK, MAX_N), BLK)
        hk = w1kp_ref[pl.ds(t0, BLK), :] + zk_s[...] + b1k_ref[...]
        key = jnp.dot(_ln_tanh(hk, gk_ref[...], bek_ref[...]).astype(jnp.bfloat16),
                      w2k_ref[...],
                      preferred_element_type=jnp.float32) + b2k_ref[...]
        rows = lax.broadcasted_iota(jnp.int32, (BLK, 1), 0)
        y = jnp.where(rows < nb - k * BLK, val * key, 0.0)
        out_ref[...] += jnp.sum(y, axis=0, keepdims=True)[None, None]


def _fused_call(n16, st16, wseg, wblk, xs, table, pd, w1kpad, pv, pk,
                card_W, card_b):
    full = lambda *_: (0, 0)
    grid_spec = pltpu.PrefetchScalarGridSpec(
        num_scalar_prefetch=4,
        grid=(2, WMAX),
        in_specs=[
            pl.BlockSpec((XS_ROWS, DIM), full),
            pl.BlockSpec((MAX_N + BLK, DIM), full),
            pl.BlockSpec((DIM, DIM), full),
            pl.BlockSpec((1, DIM), full),
            pl.BlockSpec((1, DIM), full),
            pl.BlockSpec((1, DIM), full),
            pl.BlockSpec((DIM, DIM), full),
            pl.BlockSpec((1, DIM), full),
            pl.BlockSpec((DIM, HID_V), full),
            pl.BlockSpec((DIM, HID_V), full),
            pl.BlockSpec((1, HID_V), full),
            pl.BlockSpec((1, HID_V), full),
            pl.BlockSpec((1, HID_V), full),
            pl.BlockSpec((HID_V, DIM), full),
            pl.BlockSpec((1, DIM), full),
            pl.BlockSpec((MAX_N + BLK, HID_K), full),
            pl.BlockSpec((DIM, HID_K), full),
            pl.BlockSpec((1, HID_K), full),
            pl.BlockSpec((1, HID_K), full),
            pl.BlockSpec((1, HID_K), full),
            pl.BlockSpec((HID_K, DIM), full),
            pl.BlockSpec((1, DIM), full),
            pl.BlockSpec((1, DIM), full),
            pl.BlockSpec((1, DIM), full),
        ],
        out_specs=pl.BlockSpec(
            (1, 1, 1, DIM),
            lambda p, w, n_s, st_s, wseg_s, wblk_s: (
                p, jnp.minimum(wseg_s[w], NB - 1), 0, 0)),
        scratch_shapes=[
            pltpu.VMEM((NB, DIM), jnp.float32),
            pltpu.VMEM((1, HID_V), jnp.float32),
            pltpu.VMEM((1, HID_K), jnp.float32),
        ],
    )
    return pl.pallas_call(
        _fused_kernel, grid_spec=grid_spec,
        out_shape=jax.ShapeDtypeStruct((2, NB, 1, DIM), jnp.float32),
    )(n16, st16, wseg, wblk, xs, table,
      pd["W1"].astype(jnp.bfloat16), pd["b1"].reshape(1, DIM),
      pd["g"].reshape(1, DIM), pd["beta"].reshape(1, DIM),
      pd["W2"].astype(jnp.bfloat16), pd["b2"].reshape(1, DIM),
      pv["W1"][:DIM].astype(jnp.bfloat16), pv["W1"][DIM:],
      pv["b1"].reshape(1, HID_V), pv["g"].reshape(1, HID_V),
      pv["beta"].reshape(1, HID_V), pv["W2"].astype(jnp.bfloat16),
      pv["b2"].reshape(1, DIM),
      w1kpad, pk["W1"][MAX_N:], pk["b1"].reshape(1, HID_K),
      pk["g"].reshape(1, HID_K), pk["beta"].reshape(1, HID_K),
      pk["W2"].astype(jnp.bfloat16), pk["b2"].reshape(1, DIM),
      card_W, card_b.reshape(1, DIM))


def kernel(x, batch, n_batches, params):
    del n_batches
    batch = batch.astype(jnp.int32)
    batch_col = batch.reshape(N_TOK, 1)
    batch_row = batch.reshape(1, N_TOK)

    pds = params["key_ds"]
    hid_ds = pds["W1"].shape[1]
    w1ds_pad = jnp.concatenate(
        [pds["W1"], jnp.zeros((BLK, hid_ds), jnp.float32)], axis=0)
    mag, n16, st16, adj, wseg, wblk, jlo, jhi = _prep_call(
        x, batch_row, params["rank_W"], params["rank_b"])

    dst = _rank_call(jlo.reshape(NIB), jhi.reshape(NIB), mag,
                     mag.reshape(1, N_TOK), batch_col, batch_row, adj)
    table = _table_call(w1ds_pad, pds)
    xs = _sc_scatter(x, dst.reshape(N_TOK))

    n16 = n16.reshape(NB)
    st16 = st16.reshape(NB)
    wseg = wseg.reshape(WMAX)
    wblk = wblk.reshape(WMAX)
    pk = params["key_main"]
    w1k_pad = jnp.concatenate(
        [pk["W1"][:MAX_N], jnp.zeros((BLK, HID_K), jnp.float32)], axis=0)
    out = _fused_call(n16, st16, wseg, wblk, xs, table, params["val_ds"],
                      w1k_pad, params["val_main"], pk, params["card_W"],
                      params["card_b"])
    return out[1].reshape(NB, DIM)

# --- scband reference (transcript-rebuilt; emitter-appended) ---
"""Pipeline reference for scband-encoder-44117904065270 (READ-ONLY COPY).

The authoritative reference and input builder live on the scoring server;
editing this copy changes nothing except your own understanding.
"""

import jax, jax.numpy as jnp
import numpy as np

DIM = 256
HIDDEN = 256
MAX_N = 2048
TOTAL = 16384
NB = 16


def _mlp_params(key, din, dout, midmult=1.0):
    hid = int(midmult * (din + dout) // 2)
    k1, k2 = jax.random.split(key)
    return {
        "W1": jax.random.normal(k1, (din, hid), dtype=jnp.float32) * (1.0 / np.sqrt(din)),
        "b1": jnp.zeros((hid,), jnp.float32),
        "g": jnp.ones((hid,), jnp.float32),
        "beta": jnp.zeros((hid,), jnp.float32),
        "W2": jax.random.normal(k2, (hid, dout), dtype=jnp.float32) * (1.0 / np.sqrt(hid)),
        "b2": jnp.zeros((dout,), jnp.float32),
    }


def _mlp_apply(p, x):
    # build_mlp(nlayers=2, layernorm=True, nonlinearity=Tanh):
    # Linear -> LayerNorm -> Tanh -> Linear
    h = x @ p["W1"] + p["b1"]
    mu = jnp.mean(h, axis=-1, keepdims=True)
    var = jnp.var(h, axis=-1, keepdims=True)
    h = (h - mu) / jnp.sqrt(var + 1e-5) * p["g"] + p["beta"]
    h = jnp.tanh(h)
    return h @ p["W2"] + p["b2"]


def setup_inputs(seed: int = 0) -> dict:
    key = jax.random.key(seed)
    ks = jax.random.split(key, 8)
    x = jax.random.normal(ks[0], (TOTAL, DIM), dtype=jnp.float32)
    batch = jnp.sort(jax.random.randint(ks[1], (TOTAL,), 0, NB)).astype(jnp.int32)
    params = {
        "key_ds": _mlp_params(ks[2], MAX_N, DIM),
        "val_ds": _mlp_params(ks[3], DIM, DIM),
        "key_main": _mlp_params(ks[4], MAX_N + DIM, HIDDEN),
        "val_main": _mlp_params(ks[5], DIM + DIM, HIDDEN),
        "rank_W": jax.random.normal(ks[6], (DIM, 1), dtype=jnp.float32) * (1.0 / np.sqrt(DIM)),
        "rank_b": jnp.zeros((1,), jnp.float32),
        "card_W": jax.random.normal(ks[7], (1, HIDDEN), dtype=jnp.float32),
        "card_b": jnp.zeros((HIDDEN,), jnp.float32),
    }
    return {"x": x, "batch": batch, "n_batches": NB, "params": params}


def reference(x, batch, n_batches, params):
    N = x.shape[0]
    ones = jnp.ones((N,), jnp.float32)
    # n = per-segment counts; ptr-equivalent via cumsum
    n = jax.ops.segment_sum(ones, batch, num_segments=NB).astype(jnp.int32)
    n = n + jnp.asarray(n_batches, jnp.int32) * 0
    starts = jnp.concatenate([jnp.zeros((1,), jnp.int32), jnp.cumsum(n)])[:-1]
    # per-segment sort by rank(x) (batch is sorted, so lexsort with batch as primary key
    # reproduces the per-segment torch.sort loop)
    mag = (x @ params["rank_W"] + params["rank_b"]).reshape(-1)
    order = jnp.lexsort((mag, batch))
    xs = x[order]
    # keys = concat([arange(ni) for ni in n]); onehot positional encoding of dim MAX_N
    pos_idx = jnp.arange(N, dtype=jnp.int32) - starts[batch]
    pos = jax.nn.one_hot(pos_idx, MAX_N, dtype=jnp.float32)
    # deepset context
    y1 = _mlp_apply(params["val_ds"], xs) * _mlp_apply(params["key_ds"], pos)
    z_ds = jax.ops.segment_sum(y1, batch, num_segments=NB)
    z_ds_rep = z_ds[batch]  # repeat_interleave(z_ds, n, dim=0)
    # main nets
    x_in = jnp.concatenate([xs, z_ds_rep], axis=1)
    pos_in = jnp.concatenate([pos, z_ds_rep], axis=1)
    y = _mlp_apply(params["val_main"], x_in) * _mlp_apply(params["key_main"], pos_in)
    z_elements = jax.ops.segment_sum(y, batch, num_segments=NB)
    n_enc = n[:, None].astype(jnp.float32) @ params["card_W"] + params["card_b"]
    return z_elements + n_enc

if __name__ == "__main__":
    import jax
    _d = setup_inputs()
    print(jax.jit(kernel)(*tuple(_d.values())))

</pallas_src>

<mosaic_0001>
#map = affine_map<(d0, d1) -> (0, 0)>
#map1 = affine_map<(d0, d1) -> (0)>
module attributes {stable_mosaic.version = 14 : i64} {
  func.func @scatter(%arg0: i32, %arg1: i32, %arg2: memref<16384x256xf32, #tpu.memory_space<hbm>>, %arg3: memref<16384xi32, #tpu.memory_space<hbm>>, %arg4: memref<16896x256xf32, #tpu.memory_space<hbm>>, %arg5: memref<128xi32, #tpu.memory_space<vmem>>, %arg6: memref<128x256xf32, #tpu.memory_space<vmem>>, %arg7: memref<!tpu.dma_semaphore, #tpu.memory_space<semaphore_mem>>) attributes {dimension_semantics = [#tpu.dimension_semantics<core_parallel>, #tpu.dimension_semantics<subcore_parallel>], iteration_bounds = array<i64: 2, 16>, scalar_prefetch = 0 : i64, scratch_operands = 3 : i64, tpu.core_type = #tpu.core_type<sc_vector_subcore>, window_params = [{transform_indices = #map}, {transform_indices = #map1}, {transform_indices = #map}]} {
    %mul3A = arith.constant 2 : i32
    %mul3A_0 = arith.muli %arg1, %mul3A : i32
    %add3A = arith.addi %mul3A_0, %arg0 : i32
    %mul3A_1 = arith.constant 512 : i32
    %mul3A_2 = arith.muli %add3A, %mul3A_1 : i32
    %add3A_3 = arith.constant 0 : i32
    %add3A_4 = arith.addi %mul3A_2, %add3A_3 : i32
    "tpu.region"() ({
      %run_scoped3A = tpu.sem_alloc : memref<!tpu.dma_semaphore, #tpu.memory_space<semaphore_mem>>
      %dma_start3A_39 = tpu.memref_slice %arg3[%add3A_4] : memref<16384xi32, #tpu.memory_space<hbm>> -> memref<128xi32, #tpu.memory_space<hbm>>
      %dma_start3A_40 = tpu.memref_slice %arg3[%add3A_4] : memref<16384xi32, #tpu.memory_space<hbm>> -> memref<128xi32, #tpu.memory_space<hbm>>
      tpu.enqueue_dma source(%dma_start3A_40 : memref<128xi32, #tpu.memory_space<hbm>>) target(%arg5 : memref<128xi32, #tpu.memory_space<vmem>>) target_semaphore(%run_scoped3A : memref<!tpu.dma_semaphore, #tpu.memory_space<semaphore_mem>>)
      %dma_wait3A_41 = tpu.memref_slice %arg3[%add3A_4] : memref<16384xi32, #tpu.memory_space<hbm>> -> memref<128xi32, #tpu.memory_space<hbm>>
      %dma_wait3A_42 = tpu.memref_slice %arg3[%add3A_4] : memref<16384xi32, #tpu.memory_space<hbm>> -> memref<128xi32, #tpu.memory_space<hbm>>
      tpu.wait_dma2 semaphore(%run_scoped3A : memref<!tpu.dma_semaphore, #tpu.memory_space<semaphore_mem>>) src(%dma_wait3A_42 : memref<128xi32, #tpu.memory_space<hbm>>) dst(%arg5 : memref<128xi32, #tpu.memory_space<vmem>>)
      tpu.yield
    }) : () -> ()
    "tpu.region"() ({
      %run_scoped3A = tpu.sem_alloc : memref<!tpu.dma_semaphore, #tpu.memory_space<semaphore_mem>>
      %dma_start3A_39 = arith.constant 0 : i32
      %dma_start3A_40 = tpu.memref_slice %arg2[%add3A_4, %dma_start3A_39] : memref<16384x256xf32, #tpu.memory_space<hbm>> -> memref<128x256xf32, #tpu.memory_space<hbm>>
      %dma_start3A_41 = arith.constant 0 : i32
      %dma_start3A_42 = tpu.memref_slice %arg2[%add3A_4, %dma_start3A_41] : memref<16384x256xf32, #tpu.memory_space<hbm>> -> memref<128x256xf32, #tpu.memory_space<hbm>>
      tpu.enqueue_dma source(%dma_start3A_42 : memref<128x256xf32, #tpu.memory_space<hbm>>) target(%arg6 : memref<128x256xf32, #tpu.memory_space<vmem>>) target_semaphore(%run_scoped3A : memref<!tpu.dma_semaphore, #tpu.memory_space<semaphore_mem>>)
      %dma_wait3A_43 = arith.constant 0 : i32
      %dma_wait3A_44 = tpu.memref_slice %arg2[%add3A_4, %dma_wait3A_43] : memref<16384x256xf32, #tpu.memory_space<hbm>> -> memref<128x256xf32, #tpu.memory_space<hbm>>
      %dma_wait3A_45 = arith.constant 0 : i32
      %dma_wait3A_46 = tpu.memref_slice %arg2[%add3A_4, %dma_wait3A_45] : memref<16384x256xf32, #tpu.memory_space<hbm>> -> memref<128x256xf32, #tpu.memory_space<hbm>>
      tpu.wait_dma2 semaphore(%run_scoped3A : memref<!tpu.dma_semaphore, #tpu.memory_space<semaphore_mem>>) src(%dma_wait3A_46 : memref<128x256xf32, #tpu.memory_space<hbm>>) dst(%arg6 : memref<128x256xf32, #tpu.memory_space<vmem>>)
      tpu.yield
    }) : () -> ()
    %dma_start3A = arith.constant 0 : i32
    %dma_start3A_5 = arith.constant 0 : i32
    %dma_start3A_6 = tpu.memref_slice %arg4[%dma_start3A, %dma_start3A_5] : memref<16896x256xf32, #tpu.memory_space<hbm>> -> memref<16896x256xf32, #tpu.memory_space<hbm>>
    tpu.enqueue_indirect_dma source(%arg6 : memref<128x256xf32, #tpu.memory_space<vmem>>) target(%dma_start3A_6 : memref<16896x256xf32, #tpu.memory_space<hbm>>) offsets(%arg5 : memref<128xi32, #tpu.memory_space<vmem>>) semaphore(%arg7 : memref<!tpu.dma_semaphore, #tpu.memory_space<semaphore_mem>>)
    %dma_wait3A = arith.constant 0 : i32
    %dma_wait3A_7 = arith.constant 0 : i32
    %dma_wait3A_8 = tpu.memref_slice %arg4[%dma_wait3A, %dma_wait3A_7] : memref<16896x256xf32, #tpu.memory_space<hbm>> -> memref<16896x256xf32, #tpu.memory_space<hbm>>
    tpu.wait_indirect_dma semaphore(%arg7 : memref<!tpu.dma_semaphore, #tpu.memory_space<semaphore_mem>>) src(%arg6 : memref<128x256xf32, #tpu.memory_space<vmem>>) dst(%dma_wait3A_8 : memref<16896x256xf32, #tpu.memory_space<hbm>>)
    %mul3A_9 = arith.constant 512 : i32
    %mul3A_10 = arith.muli %add3A, %mul3A_9 : i32
    %add3A_11 = arith.constant 128 : i32
    %add3A_12 = arith.addi %mul3A_10, %add3A_11 : i32
    "tpu.region"() ({
      %run_scoped3A = tpu.sem_alloc : memref<!tpu.dma_semaphore, #tpu.memory_space<semaphore_mem>>
      %dma_start3A_39 = tpu.memref_slice %arg3[%add3A_12] : memref<16384xi32, #tpu.memory_space<hbm>> -> memref<128xi32, #tpu.memory_space<hbm>>
      %dma_start3A_40 = tpu.memref_slice %arg3[%add3A_12] : memref<16384xi32, #tpu.memory_space<hbm>> -> memref<128xi32, #tpu.memory_space<hbm>>
      tpu.enqueue_dma source(%dma_start3A_40 : memref<128xi32, #tpu.memory_space<hbm>>) target(%arg5 : memref<128xi32, #tpu.memory_space<vmem>>) target_semaphore(%run_scoped3A : memref<!tpu.dma_semaphore, #tpu.memory_space<semaphore_mem>>)
      %dma_wait3A_41 = tpu.memref_slice %arg3[%add3A_12] : memref<16384xi32, #tpu.memory_space<hbm>> -> memref<128xi32, #tpu.memory_space<hbm>>
      %dma_wait3A_42 = tpu.memref_slice %arg3[%add3A_12] : memref<16384xi32, #tpu.memory_space<hbm>> -> memref<128xi32, #tpu.memory_space<hbm>>
      tpu.wait_dma2 semaphore(%run_scoped3A : memref<!tpu.dma_semaphore, #tpu.memory_space<semaphore_mem>>) src(%dma_wait3A_42 : memref<128xi32, #tpu.memory_space<hbm>>) dst(%arg5 : memref<128xi32, #tpu.memory_space<vmem>>)
      tpu.yield
    }) : () -> ()
    "tpu.region"() ({
      %run_scoped3A = tpu.sem_alloc : memref<!tpu.dma_semaphore, #tpu.memory_space<semaphore_mem>>
      %dma_start3A_39 = arith.constant 0 : i32
      %dma_start3A_40 = tpu.memref_slice %arg2[%add3A_12, %dma_start3A_39] : memref<16384x256xf32, #tpu.memory_space<hbm>> -> memref<128x256xf32, #tpu.memory_space<hbm>>
      %dma_start3A_41 = arith.constant 0 : i32
      %dma_start3A_42 = tpu.memref_slice %arg2[%add3A_12, %dma_start3A_41] : memref<16384x256xf32, #tpu.memory_space<hbm>> -> memref<128x256xf32, #tpu.memory_space<hbm>>
      tpu.enqueue_dma source(%dma_start3A_42 : memref<128x256xf32, #tpu.memory_space<hbm>>) target(%arg6 : memref<128x256xf32, #tpu.memory_space<vmem>>) target_semaphore(%run_scoped3A : memref<!tpu.dma_semaphore, #tpu.memory_space<semaphore_mem>>)
      %dma_wait3A_43 = arith.constant 0 : i32
      %dma_wait3A_44 = tpu.memref_slice %arg2[%add3A_12, %dma_wait3A_43] : memref<16384x256xf32, #tpu.memory_space<hbm>> -> memref<128x256xf32, #tpu.memory_space<hbm>>
      %dma_wait3A_45 = arith.constant 0 : i32
      %dma_wait3A_46 = tpu.memref_slice %arg2[%add3A_12, %dma_wait3A_45] : memref<16384x256xf32, #tpu.memory_space<hbm>> -> memref<128x256xf32, #tpu.memory_space<hbm>>
      tpu.wait_dma2 semaphore(%run_scoped3A : memref<!tpu.dma_semaphore, #tpu.memory_space<semaphore_mem>>) src(%dma_wait3A_46 : memref<128x256xf32, #tpu.memory_space<hbm>>) dst(%arg6 : memref<128x256xf32, #tpu.memory_space<vmem>>)
      tpu.yield
    }) : () -> ()
    %dma_start3A_13 = arith.constant 0 : i32
    %dma_start3A_14 = arith.constant 0 : i32
    %dma_start3A_15 = tpu.memref_slice %arg4[%dma_start3A_13, %dma_start3A_14] : memref<16896x256xf32, #tpu.memory_space<hbm>> -> memref<16896x256xf32, #tpu.memory_space<hbm>>
    tpu.enqueue_indirect_dma source(%arg6 : memref<128x256xf32, #tpu.memory_space<vmem>>) target(%dma_start3A_15 : memref<16896x256xf32, #tpu.memory_space<hbm>>) offsets(%arg5 : memref<128xi32, #tpu.memory_space<vmem>>) semaphore(%arg7 : memref<!tpu.dma_semaphore, #tpu.memory_space<semaphore_mem>>)
    %dma_wait3A_16 = arith.constant 0 : i32
    %dma_wait3A_17 = arith.constant 0 : i32
    %dma_wait3A_18 = tpu.memref_slice %arg4[%dma_wait3A_16, %dma_wait3A_17] : memref<16896x256xf32, #tpu.memory_space<hbm>> -> memref<16896x256xf32, #tpu.memory_space<hbm>>
    tpu.wait_indirect_dma semaphore(%arg7 : memref<!tpu.dma_semaphore, #tpu.memory_space<semaphore_mem>>) src(%arg6 : memref<128x256xf32, #tpu.memory_space<vmem>>) dst(%dma_wait3A_18 : memref<16896x256xf32, #tpu.memory_space<hbm>>)
    %mul3A_19 = arith.constant 512 : i32
    %mul3A_20 = arith.muli %add3A, %mul3A_19 : i32
    %add3A_21 = arith.constant 256 : i32
    %add3A_22 = arith.addi %mul3A_20, %add3A_21 : i32
    "tpu.region"() ({
      %run_scoped3A = tpu.sem_alloc : memref<!tpu.dma_semaphore, #tpu.memory_space<semaphore_mem>>
      %dma_start3A_39 = tpu.memref_slice %arg3[%add3A_22] : memref<16384xi32, #tpu.memory_space<hbm>> -> memref<128xi32, #tpu.memory_space<hbm>>
      %dma_start3A_40 = tpu.memref_slice %arg3[%add3A_22] : memref<16384xi32, #tpu.memory_space<hbm>> -> memref<128xi32, #tpu.memory_space<hbm>>
      tpu.enqueue_dma source(%dma_start3A_40 : memref<128xi32, #tpu.memory_space<hbm>>) target(%arg5 : memref<128xi32, #tpu.memory_space<vmem>>) target_semaphore(%run_scoped3A : memref<!tpu.dma_semaphore, #tpu.memory_space<semaphore_mem>>)
      %dma_wait3A_41 = tpu.memref_slice %arg3[%add3A_22] : memref<16384xi32, #tpu.memory_space<hbm>> -> memref<128xi32, #tpu.memory_space<hbm>>
      %dma_wait3A_42 = tpu.memref_slice %arg3[%add3A_22] : memref<16384xi32, #tpu.memory_space<hbm>> -> memref<128xi32, #tpu.memory_space<hbm>>
      tpu.wait_dma2 semaphore(%run_scoped3A : memref<!tpu.dma_semaphore, #tpu.memory_space<semaphore_mem>>) src(%dma_wait3A_42 : memref<128xi32, #tpu.memory_space<hbm>>) dst(%arg5 : memref<128xi32, #tpu.memory_space<vmem>>)
      tpu.yield
    }) : () -> ()
    "tpu.region"() ({
      %run_scoped3A = tpu.sem_alloc : memref<!tpu.dma_semaphore, #tpu.memory_space<semaphore_mem>>
      %dma_start3A_39 = arith.constant 0 : i32
      %dma_start3A_40 = tpu.memref_slice %arg2[%add3A_22, %dma_start3A_39] : memref<16384x256xf32, #tpu.memory_space<hbm>> -> memref<128x256xf32, #tpu.memory_space<hbm>>
      %dma_start3A_41 = arith.constant 0 : i32
      %dma_start3A_42 = tpu.memref_slice %arg2[%add3A_22, %dma_start3A_41] : memref<16384x256xf32, #tpu.memory_space<hbm>> -> memref<128x256xf32, #tpu.memory_space<hbm>>
      tpu.enqueue_dma source(%dma_start3A_42 : memref<128x256xf32, #tpu.memory_space<hbm>>) target(%arg6 : memref<128x256xf32, #tpu.memory_space<vmem>>) target_semaphore(%run_scoped3A : memref<!tpu.dma_semaphore, #tpu.memory_space<semaphore_mem>>)
      %dma_wait3A_43 = arith.constant 0 : i32
      %dma_wait3A_44 = tpu.memref_slice %arg2[%add3A_22, %dma_wait3A_43] : memref<16384x256xf32, #tpu.memory_space<hbm>> -> memref<128x256xf32, #tpu.memory_space<hbm>>
      %dma_wait3A_45 = arith.constant 0 : i32
      %dma_wait3A_46 = tpu.memref_slice %arg2[%add3A_22, %dma_wait3A_45] : memref<16384x256xf32, #tpu.memory_space<hbm>> -> memref<128x256xf32, #tpu.memory_space<hbm>>
      tpu.wait_dma2 semaphore(%run_scoped3A : memref<!tpu.dma_semaphore, #tpu.memory_space<semaphore_mem>>) src(%dma_wait3A_46 : memref<128x256xf32, #tpu.memory_space<hbm>>) dst(%arg6 : memref<128x256xf32, #tpu.memory_space<vmem>>)
      tpu.yield
    }) : () -> ()
    %dma_start3A_23 = arith.constant 0 : i32
    %dma_start3A_24 = arith.constant 0 : i32
    %dma_start3A_25 = tpu.memref_slice %arg4[%dma_start3A_23, %dma_start3A_24] : memref<16896x256xf32, #tpu.memory_space<hbm>> -> memref<16896x256xf32, #tpu.memory_space<hbm>>
    tpu.enqueue_indirect_dma source(%arg6 : memref<128x256xf32, #tpu.memory_space<vmem>>) target(%dma_start3A_25 : memref<16896x256xf32, #tpu.memory_space<hbm>>) offsets(%arg5 : memref<128xi32, #tpu.memory_space<vmem>>) semaphore(%arg7 : memref<!tpu.dma_semaphore, #tpu.memory_space<semaphore_mem>>)
    %dma_wait3A_26 = arith.constant 0 : i32
    %dma_wait3A_27 = arith.constant 0 : i32
    %dma_wait3A_28 = tpu.memref_slice %arg4[%dma_wait3A_26, %dma_wait3A_27] : memref<16896x256xf32, #tpu.memory_space<hbm>> -> memref<16896x256xf32, #tpu.memory_space<hbm>>
    tpu.wait_indirect_dma semaphore(%arg7 : memref<!tpu.dma_semaphore, #tpu.memory_space<semaphore_mem>>) src(%arg6 : memref<128x256xf32, #tpu.memory_space<vmem>>) dst(%dma_wait3A_28 : memref<16896x256xf32, #tpu.memory_space<hbm>>)
    %mul3A_29 = arith.constant 512 : i32
    %mul3A_30 = arith.muli %add3A, %mul3A_29 : i32
    %add3A_31 = arith.constant 384 : i32
    %add3A_32 = arith.addi %mul3A_30, %add3A_31 : i32
    "tpu.region"() ({
      %run_scoped3A = tpu.sem_alloc : memref<!tpu.dma_semaphore, #tpu.memory_space<semaphore_mem>>
      %dma_start3A_39 = tpu.memref_slice %arg3[%add3A_32] : memref<16384xi32, #tpu.memory_space<hbm>> -> memref<128xi32, #tpu.memory_space<hbm>>
      %dma_start3A_40 = tpu.memref_slice %arg3[%add3A_32] : memref<16384xi32, #tpu.memory_space<hbm>> -> memref<128xi32, #tpu.memory_space<hbm>>
      tpu.enqueue_dma source(%dma_start3A_40 : memref<128xi32, #tpu.memory_space<hbm>>) target(%arg5 : memref<128xi32, #tpu.memory_space<vmem>>) target_semaphore(%run_scoped3A : memref<!tpu.dma_semaphore, #tpu.memory_space<semaphore_mem>>)
      %dma_wait3A_41 = tpu.memref_slice %arg3[%add3A_32] : memref<16384xi32, #tpu.memory_space<hbm>> -> memref<128xi32, #tpu.memory_space<hbm>>
      %dma_wait3A_42 = tpu.memref_slice %arg3[%add3A_32] : memref<16384xi32, #tpu.memory_space<hbm>> -> memref<128xi32, #tpu.memory_space<hbm>>
      tpu.wait_dma2 semaphore(%run_scoped3A : memref<!tpu.dma_semaphore, #tpu.memory_space<semaphore_mem>>) src(%dma_wait3A_42 : memref<128xi32, #tpu.memory_space<hbm>>) dst(%arg5 : memref<128xi32, #tpu.memory_space<vmem>>)
      tpu.yield
    }) : () -> ()
    "tpu.region"() ({
      %run_scoped3A = tpu.sem_alloc : memref<!tpu.dma_semaphore, #tpu.memory_space<semaphore_mem>>
      %dma_start3A_39 = arith.constant 0 : i32
      %dma_start3A_40 = tpu.memref_slice %arg2[%add3A_32, %dma_start3A_39] : memref<16384x256xf32, #tpu.memory_space<hbm>> -> memref<128x256xf32, #tpu.memory_space<hbm>>
      %dma_start3A_41 = arith.constant 0 : i32
      %dma_start3A_42 = tpu.memref_slice %arg2[%add3A_32, %dma_start3A_41] : memref<16384x256xf32, #tpu.memory_space<hbm>> -> memref<128x256xf32, #tpu.memory_space<hbm>>
      tpu.enqueue_dma source(%dma_start3A_42 : memref<128x256xf32, #tpu.memory_space<hbm>>) target(%arg6 : memref<128x256xf32, #tpu.memory_space<vmem>>) target_semaphore(%run_scoped3A : memref<!tpu.dma_semaphore, #tpu.memory_space<semaphore_mem>>)
      %dma_wait3A_43 = arith.constant 0 : i32
      %dma_wait3A_44 = tpu.memref_slice %arg2[%add3A_32, %dma_wait3A_43] : memref<16384x256xf32, #tpu.memory_space<hbm>> -> memref<128x256xf32, #tpu.memory_space<hbm>>
      %dma_wait3A_45 = arith.constant 0 : i32
      %dma_wait3A_46 = tpu.memref_slice %arg2[%add3A_32, %dma_wait3A_45] : memref<16384x256xf32, #tpu.memory_space<hbm>> -> memref<128x256xf32, #tpu.memory_space<hbm>>
      tpu.wait_dma2 semaphore(%run_scoped3A : memref<!tpu.dma_semaphore, #tpu.memory_space<semaphore_mem>>) src(%dma_wait3A_46 : memref<128x256xf32, #tpu.memory_space<hbm>>) dst(%arg6 : memref<128x256xf32, #tpu.memory_space<vmem>>)
      tpu.yield
    }) : () -> ()
    %dma_start3A_33 = arith.constant 0 : i32
    %dma_start3A_34 = arith.constant 0 : i32
    %dma_start3A_35 = tpu.memref_slice %arg4[%dma_start3A_33, %dma_start3A_34] : memref<16896x256xf32, #tpu.memory_space<hbm>> -> memref<16896x256xf32, #tpu.memory_space<hbm>>
    tpu.enqueue_indirect_dma source(%arg6 : memref<128x256xf32, #tpu.memory_space<vmem>>) target(%dma_start3A_35 : memref<16896x256xf32, #tpu.memory_space<hbm>>) offsets(%arg5 : memref<128xi32, #tpu.memory_space<vmem>>) semaphore(%arg7 : memref<!tpu.dma_semaphore, #tpu.memory_space<semaphore_mem>>)
    %dma_wait3A_36 = arith.constant 0 : i32
    %dma_wait3A_37 = arith.constant 0 : i32
    %dma_wait3A_38 = tpu.memref_slice %arg4[%dma_wait3A_36, %dma_wait3A_37] : memref<16896x256xf32, #tpu.memory_space<hbm>> -> memref<16896x256xf32, #tpu.memory_space<hbm>>
    tpu.wait_indirect_dma semaphore(%arg7 : memref<!tpu.dma_semaphore, #tpu.memory_space<semaphore_mem>>) src(%arg6 : memref<128x256xf32, #tpu.memory_space<vmem>>) dst(%dma_wait3A_38 : memref<16896x256xf32, #tpu.memory_space<hbm>>)
    return
  }
}

module attributes {stable_mosaic.version = 14 : i64} {
  func.func @_rank_kernel(%arg0: i32, %arg1: memref<32xi32, #tpu.memory_space<smem>>, %arg2: memref<32xi32, #tpu.memory_space<smem>>, %arg3: memref<16384x1xf32, #tpu.memory_space<vmem>>, %arg4: memref<1x16384xf32, #tpu.memory_space<vmem>>, %arg5: memref<16384x1xi32, #tpu.memory_space<vmem>>, %arg6: memref<1x16384xi32, #tpu.memory_space<vmem>>, %arg7: memref<16x1xf32, #tpu.memory_space<vmem>>, %arg8: memref<512x1xi32, #tpu.memory_space<vmem>>) attributes {dimension_semantics = [#tpu.dimension_semantics<arbitrary>], iteration_bounds = array<i64: 32>, scalar_prefetch = 2 : i64, scratch_operands = 0 : i64, tpu.core_type = #tpu.core_type<tc>, window_params = [{pipeline_mode = #tpu.pipeline_mode<synchronous>, transform_indices = @transform_0, window_bounds = array<i64: 16384, 1>}, {pipeline_mode = #tpu.pipeline_mode<synchronous>, transform_indices = @transform_1, window_bounds = array<i64: 1, 16384>}, {pipeline_mode = #tpu.pipeline_mode<synchronous>, transform_indices = @transform_2, window_bounds = array<i64: 16384, 1>}, {pipeline_mode = #tpu.pipeline_mode<synchronous>, transform_indices = @transform_3, window_bounds = array<i64: 1, 16384>}, {pipeline_mode = #tpu.pipeline_mode<synchronous>, transform_indices = @transform_4, window_bounds = array<i64: 16, 1>}, {transform_indices = @transform_5, window_bounds = array<i64: 512, 1>}]} {
    %mul3A = arith.constant 512 : i32
    %mul3A_0 = arith.muli %arg0, %mul3A : i32
    %multiple_of3A = tpu.assume_multiple %mul3A_0, 512 : i32
    %get3A = arith.index_cast %multiple_of3A : i32 to index
    %get3A_1 = arith.constant 0 : index
    %get3A_2 = vector.load %arg3[%get3A, %get3A_1] : memref<16384x1xf32, #tpu.memory_space<vmem>>, vector<512x1xf32>
    %get3A_3 = arith.index_cast %multiple_of3A : i32 to index
    %get3A_4 = arith.constant 0 : index
    %get3A_5 = vector.load %arg5[%get3A_3, %get3A_4] : memref<16384x1xi32, #tpu.memory_space<vmem>>, vector<512x1xi32>
    %iota3A = tpu.iota {dimensions = array<i32: 0>} : vector<512x1xi32>
    %add3A = vector.broadcast %multiple_of3A : i32 to vector<512x1xi32>
    %add3A_6 = arith.addi %add3A, %iota3A : vector<512x1xi32>
    %get3A_7 = arith.index_cast %arg0 : i32 to index
    %get3A_8 = memref.load %arg1[%get3A_7] : memref<32xi32, #tpu.memory_space<smem>>
    %broadcast_in_dim3A = arith.constant 0.000000e+00 : f32
    %broadcast_in_dim3A_9 = vector.broadcast %broadcast_in_dim3A : f32 to vector<512x1xf32>
    %mul3A_10 = arith.constant 512 : i32
    %mul3A_11 = arith.muli %get3A_8, %mul3A_10 : i32
    %convert_element_type3A = arith.sitofp %mul3A_11 : i32 to f32
    %add3A_12 = vector.broadcast %convert_element_type3A : f32 to vector<512x1xf32>
    %add3A_13 = arith.addf %broadcast_in_dim3A_9, %add3A_12 : vector<512x1xf32>
    %get3A_14 = arith.index_cast %arg0 : i32 to index
    %get3A_15 = memref.load %arg2[%get3A_14] : memref<32xi32, #tpu.memory_space<smem>>
    %while3A = arith.subi %get3A_15, %get3A_8 : i32
    %while3A_16 = arith.addi %get3A_8, %while3A : i32
    %while3A_17 = arith.constant 1 : i32
    %while3A_18 = arith.divsi %while3A, %while3A_17 : i32
    %while3A_19 = arith.muli %while3A_18, %while3A_17 : i32
    %while3A_20 = arith.addi %get3A_8, %while3A_19 : i32
    %while3A_21 = arith.constant 1 : i32
    %while3A_22 = scf.for %while3A_38 = %get3A_8 to %while3A_20 step %while3A_21 iter_args(%while3A_39 = %add3A_13) -> (vector<512x1xf32>)  : i32 {
      %mul3A_40 = arith.constant 512 : i32
      %mul3A_41 = arith.muli %while3A_38, %mul3A_40 : i32
      %multiple_of3A_42 = tpu.assume_multiple %mul3A_41, 512 : i32
      %get3A_43 = arith.constant 0 : index
      %get3A_44 = arith.index_cast %multiple_of3A_42 : i32 to index
      %get3A_45 = vector.load %arg4[%get3A_43, %get3A_44] : memref<1x16384xf32, #tpu.memory_space<vmem>>, vector<1x512xf32>
      %get3A_46 = arith.constant 0 : index
      %get3A_47 = arith.index_cast %multiple_of3A_42 : i32 to index
      %get3A_48 = vector.load %arg6[%get3A_46, %get3A_47] : memref<1x16384xi32, #tpu.memory_space<vmem>>, vector<1x512xi32>
      %iota3A_49 = tpu.iota {dimensions = array<i32: 1>} : vector<1x512xi32>
      %add3A_50 = vector.broadcast %multiple_of3A_42 : i32 to vector<1x512xi32>
      %add3A_51 = arith.addi %add3A_50, %iota3A_49 : vector<1x512xi32>
      %lt3A = vector.broadcast %get3A_48 : vector<1x512xi32> to vector<512x512xi32>
      %lt3A_52 = vector.broadcast %get3A_5 : vector<512x1xi32> to vector<512x512xi32>
      %lt3A_53 = arith.cmpi slt, %lt3A, %lt3A_52 : vector<512x512xi32>
      %eq3A_54 = vector.broadcast %get3A_48 : vector<1x512xi32> to vector<512x512xi32>
      %eq3A_55 = vector.broadcast %get3A_5 : vector<512x1xi32> to vector<512x512xi32>
      %eq3A_56 = arith.cmpi eq, %eq3A_54, %eq3A_55 : vector<512x512xi32>
      %lt3A_57 = vector.broadcast %get3A_45 : vector<1x512xf32> to vector<512x512xf32>
      %lt3A_58 = vector.broadcast %get3A_2 : vector<512x1xf32> to vector<512x512xf32>
      %lt3A_59 = arith.cmpf olt, %lt3A_57, %lt3A_58 : vector<512x512xf32>
      %eq3A_60 = vector.broadcast %get3A_45 : vector<1x512xf32> to vector<512x512xf32>
      %eq3A_61 = vector.broadcast %get3A_2 : vector<512x1xf32> to vector<512x512xf32>
      %eq3A_62 = arith.cmpf oeq, %eq3A_60, %eq3A_61 : vector<512x512xf32>
      %lt3A_63 = vector.broadcast %add3A_51 : vector<1x512xi32> to vector<512x512xi32>
      %lt3A_64 = vector.broadcast %add3A_6 : vector<512x1xi32> to vector<512x512xi32>
      %lt3A_65 = arith.cmpi slt, %lt3A_63, %lt3A_64 : vector<512x512xi32>
      %and3A = arith.andi %eq3A_62, %lt3A_65 : vector<512x512xi1>
      %or3A = arith.ori %lt3A_59, %and3A : vector<512x512xi1>
      %and3A_66 = arith.andi %eq3A_56, %or3A : vector<512x512xi1>
      %or3A_67 = arith.ori %lt3A_53, %and3A_66 : vector<512x512xi1>
      %convert_element_type3A_68 = arith.extui %or3A_67 : vector<512x512xi1> to vector<512x512xi32>
      %convert_element_type3A_69 = arith.sitofp %convert_element_type3A_68 : vector<512x512xi32> to vector<512x512xf32>
      %reduce_sum3A = arith.constant dense<0.000000e+00> : vector<512xf32>
      %reduce_sum3A_70 = vector.multi_reduction <add>, %convert_element_type3A_69, %reduce_sum3A [1] : vector<512x512xf32> to vector<512xf32>
      %broadcast_in_dim3A_71 = vector.shape_cast %reduce_sum3A_70 : vector<512xf32> to vector<512x1xf32>
      %add3A_72 = arith.addf %while3A_39, %broadcast_in_dim3A_71 : vector<512x1xf32>
      scf.yield %add3A_72 : vector<512x1xf32>
    }
    %while3A_23 = arith.constant 1 : i32
    %while3A_24 = scf.for %while3A_38 = %while3A_20 to %while3A_16 step %while3A_23 iter_args(%while3A_39 = %while3A_22) -> (vector<512x1xf32>)  : i32 {
      %mul3A_40 = arith.constant 512 : i32
      %mul3A_41 = arith.muli %while3A_38, %mul3A_40 : i32
      %multiple_of3A_42 = tpu.assume_multiple %mul3A_41, 512 : i32
      %get3A_43 = arith.constant 0 : index
      %get3A_44 = arith.index_cast %multiple_of3A_42 : i32 to index
      %get3A_45 = vector.load %arg4[%get3A_43, %get3A_44] : memref<1x16384xf32, #tpu.memory_space<vmem>>, vector<1x512xf32>
      %get3A_46 = arith.constant 0 : index
      %get3A_47 = arith.index_cast %multiple_of3A_42 : i32 to index
      %get3A_48 = vector.load %arg6[%get3A_46, %get3A_47] : memref<1x16384xi32, #tpu.memory_space<vmem>>, vector<1x512xi32>
      %iota3A_49 = tpu.iota {dimensions = array<i32: 1>} : vector<1x512xi32>
      %add3A_50 = vector.broadcast %multiple_of3A_42 : i32 to vector<1x512xi32>
      %add3A_51 = arith.addi %add3A_50, %iota3A_49 : vector<1x512xi32>
      %lt3A = vector.broadcast %get3A_48 : vector<1x512xi32> to vector<512x512xi32>
      %lt3A_52 = vector.broadcast %get3A_5 : vector<512x1xi32> to vector<512x512xi32>
      %lt3A_53 = arith.cmpi slt, %lt3A, %lt3A_52 : vector<512x512xi32>
      %eq3A_54 = vector.broadcast %get3A_48 : vector<1x512xi32> to vector<512x512xi32>
      %eq3A_55 = vector.broadcast %get3A_5 : vector<512x1xi32> to vector<512x512xi32>
      %eq3A_56 = arith.cmpi eq, %eq3A_54, %eq3A_55 : vector<512x512xi32>
      %lt3A_57 = vector.broadcast %get3A_45 : vector<1x512xf32> to vector<512x512xf32>
      %lt3A_58 = vector.broadcast %get3A_2 : vector<512x1xf32> to vector<512x512xf32>
      %lt3A_59 = arith.cmpf olt, %lt3A_57, %lt3A_58 : vector<512x512xf32>
      %eq3A_60 = vector.broadcast %get3A_45 : vector<1x512xf32> to vector<512x512xf32>
      %eq3A_61 = vector.broadcast %get3A_2 : vector<512x1xf32> to vector<512x512xf32>
      %eq3A_62 = arith.cmpf oeq, %eq3A_60, %eq3A_61 : vector<512x512xf32>
      %lt3A_63 = vector.broadcast %add3A_51 : vector<1x512xi32> to vector<512x512xi32>
      %lt3A_64 = vector.broadcast %add3A_6 : vector<512x1xi32> to vector<512x512xi32>
      %lt3A_65 = arith.cmpi slt, %lt3A_63, %lt3A_64 : vector<512x512xi32>
      %and3A = arith.andi %eq3A_62, %lt3A_65 : vector<512x512xi1>
      %or3A = arith.ori %lt3A_59, %and3A : vector<512x512xi1>
      %and3A_66 = arith.andi %eq3A_56, %or3A : vector<512x512xi1>
      %or3A_67 = arith.ori %lt3A_53, %and3A_66 : vector<512x512xi1>
      %convert_element_type3A_68 = arith.extui %or3A_67 : vector<512x512xi1> to vector<512x512xi32>
      %convert_element_type3A_69 = arith.sitofp %convert_element_type3A_68 : vector<512x512xi32> to vector<512x512xf32>
      %reduce_sum3A = arith.constant dense<0.000000e+00> : vector<512xf32>
      %reduce_sum3A_70 = vector.multi_reduction <add>, %convert_element_type3A_69, %reduce_sum3A [1] : vector<512x512xf32> to vector<512xf32>
      %broadcast_in_dim3A_71 = vector.shape_cast %reduce_sum3A_70 : vector<512xf32> to vector<512x1xf32>
      %add3A_72 = arith.addf %while3A_39, %broadcast_in_dim3A_71 : vector<512x1xf32>
      scf.yield %add3A_72 : vector<512x1xf32>
    }
    %iota3A_25 = tpu.iota {dimensions = array<i32: 1>} : vector<1x16xi32>
    %eq3A = vector.broadcast %get3A_5 : vector<512x1xi32> to vector<512x16xi32>
    %eq3A_26 = vector.broadcast %iota3A_25 : vector<1x16xi32> to vector<512x16xi32>
    %eq3A_27 = arith.cmpi eq, %eq3A, %eq3A_26 : vector<512x16xi32>
    %convert_element_type3A_28 = arith.extui %eq3A_27 : vector<512x16xi1> to vector<512x16xi32>
    %convert_element_type3A_29 = arith.sitofp %convert_element_type3A_28 : vector<512x16xi32> to vector<512x16xf32>
    %get3A_30 = arith.constant 0 : index
    %get3A_31 = arith.constant 0 : index
    %get3A_32 = vector.load %arg7[%get3A_30, %get3A_31] : memref<16x1xf32, #tpu.memory_space<vmem>>, vector<16x1xf32>
    %dot_general3A = arith.constant dense<0.000000e+00> : vector<512x1xf32>
    %dot_general3A_33 = tpu.matmul %convert_element_type3A_29, %get3A_32, %dot_general3A {dimension_numbers = #tpu.dot_dimension_numbers<[1], [0], [0], [1], [0, 0, 1, 1], [], []>, transpose_lhs_hint = false} : vector<512x16xf32>, vector<16x1xf32>, vector<512x1xf32> -> vector<512x1xf32>
    %add3A_34 = arith.addf %while3A_24, %dot_general3A_33 : vector<512x1xf32>
    %convert_element_type3A_35 = arith.fptosi %add3A_34 : vector<512x1xf32> to vector<512x1xi32>
    %swap3A = arith.constant 0 : index
    %swap3A_36 = arith.constant 0 : index
    %swap3A_37 = vector.load %arg8[%swap3A, %swap3A_36] : memref<512x1xi32, #tpu.memory_space<vmem>>, vector<512x1xi32>
    tpu.vector_store %arg8[%swap3A, %swap3A_36], %convert_element_type3A_35 {strides = array<i32>} : memref<512x1xi32, #tpu.memory_space<vmem>>, vector<512x1xi32>,
    return
  }
  func.func @transform_0(%arg0: i32, %arg1: memref<32xi32, #tpu.memory_space<smem>>, %arg2: memref<32xi32, #tpu.memory_space<smem>>) -> (i32, i32) {
    %c0_i32 = arith.constant 0 : i32
    %c0_i32_0 = arith.constant 0 : i32
    %c0_i32_1 = arith.constant 0 : i32
    return %c0_i32, %c0_i32_0 : i32, i32
  }
  func.func @transform_1(%arg0: i32, %arg1: memref<32xi32, #tpu.memory_space<smem>>, %arg2: memref<32xi32, #tpu.memory_space<smem>>) -> (i32, i32) {
    %c0_i32 = arith.constant 0 : i32
    %c0_i32_0 = arith.constant 0 : i32
    %c0_i32_1 = arith.constant 0 : i32
    return %c0_i32, %c0_i32_0 : i32, i32
  }
  func.func @transform_2(%arg0: i32, %arg1: memref<32xi32, #tpu.memory_space<smem>>, %arg2: memref<32xi32, #tpu.memory_space<smem>>) -> (i32, i32) {
    %c0_i32 = arith.constant 0 : i32
    %c0_i32_0 = arith.constant 0 : i32
    %c0_i32_1 = arith.constant 0 : i32
    return %c0_i32, %c0_i32_0 : i32, i32
  }
  func.func @transform_3(%arg0: i32, %arg1: memref<32xi32, #tpu.memory_space<smem>>, %arg2: memref<32xi32, #tpu.memory_space<smem>>) -> (i32, i32) {
    %c0_i32 = arith.constant 0 : i32
    %c0_i32_0 = arith.constant 0 : i32
    %c0_i32_1 = arith.constant 0 : i32
    return %c0_i32, %c0_i32_0 : i32, i32
  }
  func.func @transform_4(%arg0: i32, %arg1: memref<32xi32, #tpu.memory_space<smem>>, %arg2: memref<32xi32, #tpu.memory_space<smem>>) -> (i32, i32) {
    %c0_i32 = arith.constant 0 : i32
    %c0_i32_0 = arith.constant 0 : i32
    %c0_i32_1 = arith.constant 0 : i32
    return %c0_i32, %c0_i32_0 : i32, i32
  }
  func.func @transform_5(%arg0: i32, %arg1: memref<32xi32, #tpu.memory_space<smem>>, %arg2: memref<32xi32, #tpu.memory_space<smem>>) -> (i32, i32) {
    %c0_i32 = arith.constant 0 : i32
    %c0_i32_0 = arith.constant 0 : i32
    return %arg0, %c0_i32 : i32, i32
  }
}

module attributes {stable_mosaic.version = 14 : i64} {
  func.func @_prep_kernel(%arg0: memref<16384x256xf32, #tpu.memory_space<vmem>>, %arg1: memref<1x16384xi32, #tpu.memory_space<vmem>>, %arg2: memref<256x1xf32, #tpu.memory_space<vmem>>, %arg3: memref<1x1xf32, #tpu.memory_space<vmem>>, %arg4: memref<16384x1xf32, #tpu.memory_space<vmem>>, %arg5: memref<16x1xi32, #tpu.memory_space<vmem>>, %arg6: memref<16x1xi32, #tpu.memory_space<vmem>>, %arg7: memref<16x1xf32, #tpu.memory_space<vmem>>, %arg8: memref<1x80xi32, #tpu.memory_space<vmem>>, %arg9: memref<1x80xi32, #tpu.memory_space<vmem>>, %arg10: memref<1x32xi32, #tpu.memory_space<vmem>>, %arg11: memref<1x32xi32, #tpu.memory_space<vmem>>) attributes {dimension_semantics = [], scalar_prefetch = 0 : i64, scratch_operands = 0 : i64, tpu.core_type = #tpu.core_type<tc>} {
    %get3A = arith.constant 0 : index
    %get3A_0 = arith.constant 0 : index
    %get3A_1 = vector.load %arg0[%get3A, %get3A_0] : memref<16384x256xf32, #tpu.memory_space<vmem>>, vector<16384x256xf32>
    %get3A_2 = arith.constant 0 : index
    %get3A_3 = arith.constant 0 : index
    %get3A_4 = vector.load %arg2[%get3A_2, %get3A_3] : memref<256x1xf32, #tpu.memory_space<vmem>>, vector<256x1xf32>
    %dot_general3A = arith.constant dense<0.000000e+00> : vector<16384x1xf32>
    %dot_general3A_5 = tpu.matmul %get3A_1, %get3A_4, %dot_general3A {dimension_numbers = #tpu.dot_dimension_numbers<[1], [0], [0], [1], [0, 0, 1, 1], [], []>, transpose_lhs_hint = false} : vector<16384x256xf32>, vector<256x1xf32>, vector<16384x1xf32> -> vector<16384x1xf32>
    %get3A_6 = arith.constant 0 : index
    %get3A_7 = arith.constant 0 : index
    %get3A_8 = vector.load %arg3[%get3A_6, %get3A_7] : memref<1x1xf32, #tpu.memory_space<vmem>>, vector<1x1xf32>
    %add3A = vector.broadcast %get3A_8 : vector<1x1xf32> to vector<16384x1xf32>
    %add3A_9 = arith.addf %dot_general3A_5, %add3A : vector<16384x1xf32>
    %swap3A = arith.constant 0 : index
    %swap3A_10 = arith.constant 0 : index
    %swap3A_11 = vector.load %arg4[%swap3A, %swap3A_10] : memref<16384x1xf32, #tpu.memory_space<vmem>>, vector<16384x1xf32>
    tpu.vector_store %arg4[%swap3A, %swap3A_10], %add3A_9 {strides = array<i32>} : memref<16384x1xf32, #tpu.memory_space<vmem>>, vector<16384x1xf32>,
    %iota3A = tpu.iota {dimensions = array<i32: 0>} : vector<16x1xi32>
    %get3A_12 = arith.constant 0 : index
    %get3A_13 = arith.constant 0 : index
    %get3A_14 = vector.load %arg1[%get3A_12, %get3A_13] : memref<1x16384xi32, #tpu.memory_space<vmem>>, vector<1x16384xi32>
    %eq3A = vector.broadcast %get3A_14 : vector<1x16384xi32> to vector<16x16384xi32>
    %eq3A_15 = vector.broadcast %iota3A : vector<16x1xi32> to vector<16x16384xi32>
    %eq3A_16 = arith.cmpi eq, %eq3A, %eq3A_15 : vector<16x16384xi32>
    %convert_element_type3A = arith.extui %eq3A_16 : vector<16x16384xi1> to vector<16x16384xi32>
    %convert_element_type3A_17 = arith.sitofp %convert_element_type3A : vector<16x16384xi32> to vector<16x16384xf32>
    %reduce_sum3A = arith.constant dense<0.000000e+00> : vector<16xf32>
    %reduce_sum3A_18 = vector.multi_reduction <add>, %convert_element_type3A_17, %reduce_sum3A [1] : vector<16x16384xf32> to vector<16xf32>
    %broadcast_in_dim3A = vector.shape_cast %reduce_sum3A_18 : vector<16xf32> to vector<16x1xf32>
    %convert_element_type3A_19 = arith.fptosi %broadcast_in_dim3A : vector<16x1xf32> to vector<16x1xi32>
    %swap3A_20 = arith.constant 0 : index
    %swap3A_21 = arith.constant 0 : index
    %swap3A_22 = vector.load %arg5[%swap3A_20, %swap3A_21] : memref<16x1xi32, #tpu.memory_space<vmem>>, vector<16x1xi32>
    tpu.vector_store %arg5[%swap3A_20, %swap3A_21], %convert_element_type3A_19 {strides = array<i32>} : memref<16x1xi32, #tpu.memory_space<vmem>>, vector<16x1xi32>,
    %eq3A_23 = vector.broadcast %get3A_14 : vector<1x16384xi32> to vector<16x16384xi32>
    %eq3A_24 = vector.broadcast %iota3A : vector<16x1xi32> to vector<16x16384xi32>
    %eq3A_25 = arith.cmpi eq, %eq3A_23, %eq3A_24 : vector<16x16384xi32>
    %convert_element_type3A_26 = arith.extui %eq3A_25 : vector<16x16384xi1> to vector<16x16384xi32>
    %convert_element_type3A_27 = arith.sitofp %convert_element_type3A_26 : vector<16x16384xi32> to vector<16x16384xf32>
    %reduce_sum3A_28 = arith.constant dense<0.000000e+00> : vector<16xf32>
    %reduce_sum3A_29 = vector.multi_reduction <add>, %convert_element_type3A_27, %reduce_sum3A_28 [1] : vector<16x16384xf32> to vector<16xf32>
    %broadcast_in_dim3A_30 = vector.shape_cast %reduce_sum3A_29 : vector<16xf32> to vector<16x1xf32>
    %lt3A = vector.broadcast %get3A_14 : vector<1x16384xi32> to vector<16x16384xi32>
    %lt3A_31 = vector.broadcast %iota3A : vector<16x1xi32> to vector<16x16384xi32>
    %lt3A_32 = arith.cmpi slt, %lt3A, %lt3A_31 : vector<16x16384xi32>
    %convert_element_type3A_33 = arith.extui %lt3A_32 : vector<16x16384xi1> to vector<16x16384xi32>
    %convert_element_type3A_34 = arith.sitofp %convert_element_type3A_33 : vector<16x16384xi32> to vector<16x16384xf32>
    %reduce_sum3A_35 = arith.constant dense<0.000000e+00> : vector<16xf32>
    %reduce_sum3A_36 = vector.multi_reduction <add>, %convert_element_type3A_34, %reduce_sum3A_35 [1] : vector<16x16384xf32> to vector<16xf32>
    %broadcast_in_dim3A_37 = vector.shape_cast %reduce_sum3A_36 : vector<16xf32> to vector<16x1xf32>
    %div3A = arith.constant 8.000000e+00 : f32
    %div3A_38 = vector.broadcast %div3A : f32 to vector<16x1xf32>
    %div3A_39 = arith.divf %broadcast_in_dim3A_30, %div3A_38 : vector<16x1xf32>
    %ceil3A = math.ceil %div3A_39 : vector<16x1xf32>
    %mul3A = arith.constant 8.000000e+00 : f32
    %mul3A_40 = vector.broadcast %mul3A : f32 to vector<16x1xf32>
    %mul3A_41 = arith.mulf %ceil3A, %mul3A_40 : vector<16x1xf32>
    %iota3A_42 = tpu.iota {dimensions = array<i32: 1>} : vector<1x16xi32>
    %gt3A = vector.broadcast %iota3A : vector<16x1xi32> to vector<16x16xi32>
    %gt3A_43 = vector.broadcast %iota3A_42 : vector<1x16xi32> to vector<16x16xi32>
    %gt3A_44 = arith.cmpi sgt, %gt3A, %gt3A_43 : vector<16x16xi32>
    %convert_element_type3A_45 = arith.extui %gt3A_44 : vector<16x16xi1> to vector<16x16xi32>
    %convert_element_type3A_46 = arith.sitofp %convert_element_type3A_45 : vector<16x16xi32> to vector<16x16xf32>
    %dot_general3A_47 = arith.constant dense<0.000000e+00> : vector<16x1xf32>
    %dot_general3A_48 = tpu.matmul %convert_element_type3A_46, %mul3A_41, %dot_general3A_47 {dimension_numbers = #tpu.dot_dimension_numbers<[1], [0], [0], [1], [0, 0, 1, 1], [], []>, transpose_lhs_hint = false} : vector<16x16xf32>, vector<16x1xf32>, vector<16x1xf32> -> vector<16x1xf32>
    %convert_element_type3A_49 = arith.fptosi %dot_general3A_48 : vector<16x1xf32> to vector<16x1xi32>
    %swap3A_50 = arith.constant 0 : index
    %swap3A_51 = arith.constant 0 : index
    %swap3A_52 = vector.load %arg6[%swap3A_50, %swap3A_51] : memref<16x1xi32, #tpu.memory_space<vmem>>, vector<16x1xi32>
    tpu.vector_store %arg6[%swap3A_50, %swap3A_51], %convert_element_type3A_49 {strides = array<i32>} : memref<16x1xi32, #tpu.memory_space<vmem>>, vector<16x1xi32>,
    %sub3A = arith.subf %dot_general3A_48, %broadcast_in_dim3A_37 : vector<16x1xf32>
    %swap3A_53 = arith.constant 0 : index
    %swap3A_54 = arith.constant 0 : index
    %swap3A_55 = vector.load %arg7[%swap3A_53, %swap3A_54] : memref<16x1xf32, #tpu.memory_space<vmem>>, vector<16x1xf32>
    tpu.vector_store %arg7[%swap3A_53, %swap3A_54], %sub3A {strides = array<i32>} : memref<16x1xf32, #tpu.memory_space<vmem>>, vector<16x1xf32>,
    %div3A_56 = arith.constant 2.560000e+02 : f32
    %div3A_57 = vector.broadcast %div3A_56 : f32 to vector<16x1xf32>
    %div3A_58 = arith.divf %broadcast_in_dim3A_30, %div3A_57 : vector<16x1xf32>
    %ceil3A_59 = math.ceil %div3A_58 : vector<16x1xf32>
    %max3A = arith.constant 1.000000e+00 : f32
    %max3A_60 = vector.broadcast %max3A : f32 to vector<16x1xf32>
    %max3A_61 = arith.maximumf %ceil3A_59, %max3A_60 : vector<16x1xf32>
    %ge3A = vector.broadcast %iota3A : vector<16x1xi32> to vector<16x16xi32>
    %ge3A_62 = vector.broadcast %iota3A_42 : vector<1x16xi32> to vector<16x16xi32>
    %ge3A_63 = arith.cmpi sge, %ge3A, %ge3A_62 : vector<16x16xi32>
    %convert_element_type3A_64 = arith.extui %ge3A_63 : vector<16x16xi1> to vector<16x16xi32>
    %convert_element_type3A_65 = arith.sitofp %convert_element_type3A_64 : vector<16x16xi32> to vector<16x16xf32>
    %dot_general3A_66 = arith.constant dense<0.000000e+00> : vector<16x1xf32>
    %dot_general3A_67 = tpu.matmul %convert_element_type3A_65, %max3A_61, %dot_general3A_66 {dimension_numbers = #tpu.dot_dimension_numbers<[1], [0], [0], [1], [0, 0, 1, 1], [], []>, transpose_lhs_hint = false} : vector<16x16xf32>, vector<16x1xf32>, vector<16x1xf32> -> vector<16x1xf32>
    %iota3A_68 = tpu.iota {dimensions = array<i32: 1>} : vector<1x80xi32>
    %convert_element_type3A_69 = arith.sitofp %iota3A_68 : vector<1x80xi32> to vector<1x80xf32>
    %le3A = vector.broadcast %dot_general3A_67 : vector<16x1xf32> to vector<16x80xf32>
    %le3A_70 = vector.broadcast %convert_element_type3A_69 : vector<1x80xf32> to vector<16x80xf32>
    %le3A_71 = arith.cmpf ole, %le3A, %le3A_70 : vector<16x80xf32>
    %convert_element_type3A_72 = arith.extui %le3A_71 : vector<16x80xi1> to vector<16x80xi32>
    %convert_element_type3A_73 = arith.sitofp %convert_element_type3A_72 : vector<16x80xi32> to vector<16x80xf32>
    %reduce_sum3A_74 = arith.constant dense<0.000000e+00> : vector<80xf32>
    %reduce_sum3A_75 = vector.multi_reduction <add>, %convert_element_type3A_73, %reduce_sum3A_74 [0] : vector<16x80xf32> to vector<80xf32>
    %broadcast_in_dim3A_76 = vector.shape_cast %reduce_sum3A_75 : vector<80xf32> to vector<1x80xf32>
    %convert_element_type3A_77 = arith.sitofp %iota3A : vector<16x1xi32> to vector<16x1xf32>
    %eq3A_78 = vector.broadcast %convert_element_type3A_77 : vector<16x1xf32> to vector<16x80xf32>
    %eq3A_79 = vector.broadcast %broadcast_in_dim3A_76 : vector<1x80xf32> to vector<16x80xf32>
    %eq3A_80 = arith.cmpf oeq, %eq3A_78, %eq3A_79 : vector<16x80xf32>
    %convert_element_type3A_81 = arith.extui %eq3A_80 : vector<16x80xi1> to vector<16x80xi32>
    %convert_element_type3A_82 = arith.sitofp %convert_element_type3A_81 : vector<16x80xi32> to vector<16x80xf32>
    %sub3A_83 = arith.subf %dot_general3A_67, %max3A_61 : vector<16x1xf32>
    %mul3A_84 = vector.broadcast %sub3A_83 : vector<16x1xf32> to vector<16x80xf32>
    %mul3A_85 = arith.mulf %convert_element_type3A_82, %mul3A_84 : vector<16x80xf32>
    %reduce_sum3A_86 = arith.constant dense<0.000000e+00> : vector<80xf32>
    %reduce_sum3A_87 = vector.multi_reduction <add>, %mul3A_85, %reduce_sum3A_86 [0] : vector<16x80xf32> to vector<80xf32>
    %broadcast_in_dim3A_88 = vector.shape_cast %reduce_sum3A_87 : vector<80xf32> to vector<1x80xf32>
    %sub3A_89 = arith.subf %convert_element_type3A_69, %broadcast_in_dim3A_88 : vector<1x80xf32>
    %convert_element_type3A_90 = arith.fptosi %broadcast_in_dim3A_76 : vector<1x80xf32> to vector<1x80xi32>
    %swap3A_91 = arith.constant 0 : index
    %swap3A_92 = arith.constant 0 : index
    %swap3A_93 = vector.load %arg8[%swap3A_91, %swap3A_92] : memref<1x80xi32, #tpu.memory_space<vmem>>, vector<1x80xi32>
    tpu.vector_store %arg8[%swap3A_91, %swap3A_92], %convert_element_type3A_90 {strides = array<i32>} : memref<1x80xi32, #tpu.memory_space<vmem>>, vector<1x80xi32>,
    %convert_element_type3A_94 = arith.fptosi %sub3A_89 : vector<1x80xf32> to vector<1x80xi32>
    %swap3A_95 = arith.constant 0 : index
    %swap3A_96 = arith.constant 0 : index
    %swap3A_97 = vector.load %arg9[%swap3A_95, %swap3A_96] : memref<1x80xi32, #tpu.memory_space<vmem>>, vector<1x80xi32>
    tpu.vector_store %arg9[%swap3A_95, %swap3A_96], %convert_element_type3A_94 {strides = array<i32>} : memref<1x80xi32, #tpu.memory_space<vmem>>, vector<1x80xi32>,
    %iota3A_98 = tpu.iota {dimensions = array<i32: 1>} : vector<1x32xi32>
    %convert_element_type3A_99 = arith.sitofp %iota3A_98 : vector<1x32xi32> to vector<1x32xf32>
    %mul3A_100 = arith.constant 5.120000e+02 : f32
    %mul3A_101 = vector.broadcast %mul3A_100 : f32 to vector<1x32xf32>
    %mul3A_102 = arith.mulf %convert_element_type3A_99, %mul3A_101 : vector<1x32xf32>
    %le3A_103 = vector.broadcast %broadcast_in_dim3A_37 : vector<16x1xf32> to vector<16x32xf32>
    %le3A_104 = vector.broadcast %mul3A_102 : vector<1x32xf32> to vector<16x32xf32>
    %le3A_105 = arith.cmpf ole, %le3A_103, %le3A_104 : vector<16x32xf32>
    %jit3A = arith.constant 0.000000e+00 : f32
    %broadcast_in_dim3A_106 = vector.shape_cast %broadcast_in_dim3A_37 : vector<16x1xf32> to vector<16x1xf32>
    %broadcast_in_dim3A_107 = vector.broadcast %broadcast_in_dim3A_106 : vector<16x1xf32> to vector<16x32xf32>
    %broadcast_in_dim3A_108 = vector.broadcast %jit3A : f32 to vector<16x32xf32>
    %select_n3A = arith.select %le3A_105, %broadcast_in_dim3A_107, %broadcast_in_dim3A_108 : vector<16x32xi1>, vector<16x32xf32>
    %reduce_max3A = arith.constant dense<0xFF800000> : vector<32xf32>
    %reduce_max3A_109 = vector.multi_reduction <maximumf>, %select_n3A, %reduce_max3A [0] : vector<16x32xf32> to vector<32xf32>
    %broadcast_in_dim3A_110 = vector.shape_cast %reduce_max3A_109 : vector<32xf32> to vector<1x32xf32>
    %add3A_111 = arith.addf %broadcast_in_dim3A_37, %broadcast_in_dim3A_30 : vector<16x1xf32>
    %add3A_112 = arith.constant 5.120000e+02 : f32
    %add3A_113 = vector.broadcast %add3A_112 : f32 to vector<1x32xf32>
    %add3A_114 = arith.addf %mul3A_102, %add3A_113 : vector<1x32xf32>
    %ge3A_115 = vector.broadcast %add3A_111 : vector<16x1xf32> to vector<16x32xf32>
    %ge3A_116 = vector.broadcast %add3A_114 : vector<1x32xf32> to vector<16x32xf32>
    %ge3A_117 = arith.cmpf oge, %ge3A_115, %ge3A_116 : vector<16x32xf32>
    %jit3A_118 = arith.constant 1.638400e+04 : f32
    %broadcast_in_dim3A_119 = vector.shape_cast %add3A_111 : vector<16x1xf32> to vector<16x1xf32>
    %broadcast_in_dim3A_120 = vector.broadcast %broadcast_in_dim3A_119 : vector<16x1xf32> to vector<16x32xf32>
    %broadcast_in_dim3A_121 = vector.broadcast %jit3A_118 : f32 to vector<16x32xf32>
    %select_n3A_122 = arith.select %ge3A_117, %broadcast_in_dim3A_120, %broadcast_in_dim3A_121 : vector<16x32xi1>, vector<16x32xf32>
    %reduce_min3A = arith.constant dense<0x7F800000> : vector<32xf32>
    %reduce_min3A_123 = vector.multi_reduction <minimumf>, %select_n3A_122, %reduce_min3A [0] : vector<16x32xf32> to vector<32xf32>
    %broadcast_in_dim3A_124 = vector.shape_cast %reduce_min3A_123 : vector<32xf32> to vector<1x32xf32>
    %div3A_125 = arith.constant 5.120000e+02 : f32
    %div3A_126 = vector.broadcast %div3A_125 : f32 to vector<1x32xf32>
    %div3A_127 = arith.divf %broadcast_in_dim3A_110, %div3A_126 : vector<1x32xf32>
    %floor3A = math.floor %div3A_127 : vector<1x32xf32>
    %convert_element_type3A_128 = arith.fptosi %floor3A : vector<1x32xf32> to vector<1x32xi32>
    %swap3A_129 = arith.constant 0 : index
    %swap3A_130 = arith.constant 0 : index
    %swap3A_131 = vector.load %arg10[%swap3A_129, %swap3A_130] : memref<1x32xi32, #tpu.memory_space<vmem>>, vector<1x32xi32>
    tpu.vector_store %arg10[%swap3A_129, %swap3A_130], %convert_element_type3A_128 {strides = array<i32>} : memref<1x32xi32, #tpu.memory_space<vmem>>, vector<1x32xi32>,
    %div3A_132 = arith.constant 5.120000e+02 : f32
    %div3A_133 = vector.broadcast %div3A_132 : f32 to vector<1x32xf32>
    %div3A_134 = arith.divf %broadcast_in_dim3A_124, %div3A_133 : vector<1x32xf32>
    %ceil3A_135 = math.ceil %div3A_134 : vector<1x32xf32>
    %convert_element_type3A_136 = arith.fptosi %ceil3A_135 : vector<1x32xf32> to vector<1x32xi32>
    %swap3A_137 = arith.constant 0 : index
    %swap3A_138 = arith.constant 0 : index
    %swap3A_139 = vector.load %arg11[%swap3A_137, %swap3A_138] : memref<1x32xi32, #tpu.memory_space<vmem>>, vector<1x32xi32>
    tpu.vector_store %arg11[%swap3A_137, %swap3A_138], %convert_element_type3A_136 {strides = array<i32>} : memref<1x32xi32, #tpu.memory_space<vmem>>, vector<1x32xi32>,
    return
  }
}

module attributes {stable_mosaic.version = 14 : i64} {
  func.func @_fused_kernel(%arg0: i32, %arg1: i32, %arg2: memref<16xi32, #tpu.memory_space<smem>>, %arg3: memref<16xi32, #tpu.memory_space<smem>>, %arg4: memref<80xi32, #tpu.memory_space<smem>>, %arg5: memref<80xi32, #tpu.memory_space<smem>>, %arg6: memref<16896x256xf32, #tpu.memory_space<vmem>>, %arg7: memref<2304x256xf32, #tpu.memory_space<vmem>>, %arg8: memref<256x256xbf16, #tpu.memory_space<vmem>>, %arg9: memref<1x256xf32, #tpu.memory_space<vmem>>, %arg10: memref<1x256xf32, #tpu.memory_space<vmem>>, %arg11: memref<1x256xf32, #tpu.memory_space<vmem>>, %arg12: memref<256x256xbf16, #tpu.memory_space<vmem>>, %arg13: memref<1x256xf32, #tpu.memory_space<vmem>>, %arg14: memref<256x384xbf16, #tpu.memory_space<vmem>>, %arg15: memref<256x384xf32, #tpu.memory_space<vmem>>, %arg16: memref<1x384xf32, #tpu.memory_space<vmem>>, %arg17: memref<1x384xf32, #tpu.memory_space<vmem>>, %arg18: memref<1x384xf32, #tpu.memory_space<vmem>>, %arg19: memref<384x256xbf16, #tpu.memory_space<vmem>>, %arg20: memref<1x256xf32, #tpu.memory_space<vmem>>, %arg21: memref<2304x1280xf32, #tpu.memory_space<vmem>>, %arg22: memref<256x1280xf32, #tpu.memory_space<vmem>>, %arg23: memref<1x1280xf32, #tpu.memory_space<vmem>>, %arg24: memref<1x1280xf32, #tpu.memory_space<vmem>>, %arg25: memref<1x1280xf32, #tpu.memory_space<vmem>>, %arg26: memref<1280x256xbf16, #tpu.memory_space<vmem>>, %arg27: memref<1x256xf32, #tpu.memory_space<vmem>>, %arg28: memref<1x256xf32, #tpu.memory_space<vmem>>, %arg29: memref<1x256xf32, #tpu.memory_space<vmem>>, %arg30: memref<1x1x1x256xf32, #tpu.memory_space<vmem>>, %arg31: memref<16x256xf32, #tpu.memory_space<vmem>>, %arg32: memref<1x384xf32, #tpu.memory_space<vmem>>, %arg33: memref<1x1280xf32, #tpu.memory_space<vmem>>) attributes {dimension_semantics = [#tpu.dimension_semantics<arbitrary>, #tpu.dimension_semantics<arbitrary>], iteration_bounds = array<i64: 2, 80>, scalar_prefetch = 4 : i64, scratch_operands = 3 : i64, tpu.core_type = #tpu.core_type<tc>, window_params = [{pipeline_mode = #tpu.pipeline_mode<synchronous>, transform_indices = @transform_0, window_bounds = array<i64: 16896, 256>}, {pipeline_mode = #tpu.pipeline_mode<synchronous>, transform_indices = @transform_1, window_bounds = array<i64: 2304, 256>}, {pipeline_mode = #tpu.pipeline_mode<synchronous>, transform_indices = @transform_2, window_bounds = array<i64: 256, 256>}, {pipeline_mode = #tpu.pipeline_mode<synchronous>, transform_indices = @transform_3, window_bounds = array<i64: 1, 256>}, {pipeline_mode = #tpu.pipeline_mode<synchronous>, transform_indices = @transform_4, window_bounds = array<i64: 1, 256>}, {pipeline_mode = #tpu.pipeline_mode<synchronous>, transform_indices = @transform_5, window_bounds = array<i64: 1, 256>}, {pipeline_mode = #tpu.pipeline_mode<synchronous>, transform_indices = @transform_6, window_bounds = array<i64: 256, 256>}, {pipeline_mode = #tpu.pipeline_mode<synchronous>, transform_indices = @transform_7, window_bounds = array<i64: 1, 256>}, {pipeline_mode = #tpu.pipeline_mode<synchronous>, transform_indices = @transform_8, window_bounds = array<i64: 256, 384>}, {pipeline_mode = #tpu.pipeline_mode<synchronous>, transform_indices = @transform_9, window_bounds = array<i64: 256, 384>}, {pipeline_mode = #tpu.pipeline_mode<synchronous>, transform_indices = @transform_10, window_bounds = array<i64: 1, 384>}, {pipeline_mode = #tpu.pipeline_mode<synchronous>, transform_indices = @transform_11, window_bounds = array<i64: 1, 384>}, {pipeline_mode = #tpu.pipeline_mode<synchronous>, transform_indices = @transform_12, window_bounds = array<i64: 1, 384>}, {pipeline_mode = #tpu.pipeline_mode<synchronous>, transform_indices = @transform_13, window_bounds = array<i64: 384, 256>}, {pipeline_mode = #tpu.pipeline_mode<synchronous>, transform_indices = @transform_14, window_bounds = array<i64: 1, 256>}, {pipeline_mode = #tpu.pipeline_mode<synchronous>, transform_indices = @transform_15, window_bounds = array<i64: 2304, 1280>}, {pipeline_mode = #tpu.pipeline_mode<synchronous>, transform_indices = @transform_16, window_bounds = array<i64: 256, 1280>}, {pipeline_mode = #tpu.pipeline_mode<synchronous>, transform_indices = @transform_17, window_bounds = array<i64: 1, 1280>}, {pipeline_mode = #tpu.pipeline_mode<synchronous>, transform_indices = @transform_18, window_bounds = array<i64: 1, 1280>}, {pipeline_mode = #tpu.pipeline_mode<synchronous>, transform_indices = @transform_19, window_bounds = array<i64: 1, 1280>}, {pipeline_mode = #tpu.pipeline_mode<synchronous>, transform_indices = @transform_20, window_bounds = array<i64: 1280, 256>}, {pipeline_mode = #tpu.pipeline_mode<synchronous>, transform_indices = @transform_21, window_bounds = array<i64: 1, 256>}, {pipeline_mode = #tpu.pipeline_mode<synchronous>, transform_indices = @transform_22, window_bounds = array<i64: 1, 256>}, {pipeline_mode = #tpu.pipeline_mode<synchronous>, transform_indices = @transform_23, window_bounds = array<i64: 1, 256>}, {transform_indices = @transform_24, window_bounds = array<i64: 1, 1, 1, 256>}]} {
    %get3A = arith.index_cast %arg1 : i32 to index
    %get3A_0 = memref.load %arg4[%get3A] : memref<80xi32, #tpu.memory_space<smem>>
    %get3A_1 = arith.index_cast %arg1 : i32 to index
    %get3A_2 = memref.load %arg5[%get3A_1] : memref<80xi32, #tpu.memory_space<smem>>
    %lt3A = arith.constant 16 : i32
    %lt3A_3 = arith.cmpi slt, %get3A_0, %lt3A : i32
    %min3A = arith.constant 15 : i32
    %min3A_4 = arith.minsi %get3A_0, %min3A : i32
    %get3A_5 = arith.index_cast %min3A_4 : i32 to index
    %get3A_6 = memref.load %arg2[%get3A_5] : memref<16xi32, #tpu.memory_space<smem>>
    %iota3A = tpu.iota {dimensions = array<i32: 0>} : vector<16x1xi32>
    %iota3A_7 = tpu.iota {dimensions = array<i32: 1>} : vector<1x16xi32>
    %eq3A = arith.constant 0 : i32
    %eq3A_8 = arith.cmpi eq, %arg0, %eq3A : i32
    %eq3A_9 = arith.constant 0 : i32
    %eq3A_10 = arith.cmpi eq, %arg1, %eq3A_9 : i32
    %and3A = arith.andi %eq3A_8, %eq3A_10 : i1
    %convert_element_type3A = arith.extui %and3A : i1 to i32
    %cond3A = arith.constant 0 : i32
    %cond3A_11 = arith.cmpi ne, %convert_element_type3A, %cond3A : i32
    scf.if %cond3A_11 {
      %broadcast_in_dim3A = arith.constant 0.000000e+00 : f32
      %broadcast_in_dim3A_40 = vector.broadcast %broadcast_in_dim3A : f32 to vector<16x256xf32>
      %swap3A = arith.constant 0 : index
      %swap3A_41 = arith.constant 0 : index
      %swap3A_42 = vector.load %arg31[%swap3A, %swap3A_41] : memref<16x256xf32, #tpu.memory_space<vmem>>, vector<16x256xf32>
      tpu.vector_store %arg31[%swap3A, %swap3A_41], %broadcast_in_dim3A_40 {strides = array<i32>} : memref<16x256xf32, #tpu.memory_space<vmem>>, vector<16x256xf32>,
    } else {
    }
    %eq3A_12 = arith.constant 0 : i32
    %eq3A_13 = arith.cmpi eq, %arg0, %eq3A_12 : i32
    %and3A_14 = arith.andi %eq3A_13, %lt3A_3 : i1
    %mul3A = arith.constant 256 : i32
    %mul3A_15 = arith.muli %get3A_2, %mul3A : i32
    %lt3A_16 = arith.cmpi slt, %mul3A_15, %get3A_6 : i32
    %and3A_17 = arith.andi %and3A_14, %lt3A_16 : i1
    %convert_element_type3A_18 = arith.extui %and3A_17 : i1 to i32
    %cond3A_19 = arith.constant 0 : i32
    %cond3A_20 = arith.cmpi ne, %convert_element_type3A_18, %cond3A_19 : i32
    scf.if %cond3A_20 {
      %get3A_40 = arith.index_cast %min3A_4 : i32 to index
      %get3A_41 = memref.load %arg3[%get3A_40] : memref<16xi32, #tpu.memory_space<smem>>
      %mul3A_42 = arith.constant 256 : i32
      %mul3A_43 = arith.muli %get3A_2, %mul3A_42 : i32
      %add3A = arith.addi %get3A_41, %mul3A_43 : i32
      %multiple_of3A = tpu.assume_multiple %add3A, 8 : i32
      %get3A_44 = arith.index_cast %multiple_of3A : i32 to index
      %get3A_45 = arith.constant 0 : index
      %get3A_46 = vector.load %arg6[%get3A_44, %get3A_45] : memref<16896x256xf32, #tpu.memory_space<vmem>>, vector<256x256xf32>
      %convert_element_type3A_47 = arith.truncf %get3A_46 : vector<256x256xf32> to vector<256x256xbf16>
      %get3A_48 = arith.constant 0 : index
      %get3A_49 = arith.constant 0 : index
      %get3A_50 = vector.load %arg8[%get3A_48, %get3A_49] : memref<256x256xbf16, #tpu.memory_space<vmem>>, vector<256x256xbf16>
      %dot_general3A = arith.constant dense<0.000000e+00> : vector<256x256xf32>
      %dot_general3A_51 = tpu.matmul %convert_element_type3A_47, %get3A_50, %dot_general3A {dimension_numbers = #tpu.dot_dimension_numbers<[1], [0], [0], [1], [0, 0, 1, 1], [], []>, transpose_lhs_hint = false} : vector<256x256xbf16>, vector<256x256xbf16>, vector<256x256xf32> -> vector<256x256xf32>
      %get3A_52 = arith.constant 0 : index
      %get3A_53 = arith.constant 0 : index
      %get3A_54 = vector.load %arg9[%get3A_52, %get3A_53] : memref<1x256xf32, #tpu.memory_space<vmem>>, vector<1x256xf32>
      %add3A_55 = vector.broadcast %get3A_54 : vector<1x256xf32> to vector<256x256xf32>
      %add3A_56 = arith.addf %dot_general3A_51, %add3A_55 : vector<256x256xf32>
      %get3A_57 = arith.constant 0 : index
      %get3A_58 = arith.constant 0 : index
      %get3A_59 = vector.load %arg10[%get3A_57, %get3A_58] : memref<1x256xf32, #tpu.memory_space<vmem>>, vector<1x256xf32>
      %get3A_60 = arith.constant 0 : index
      %get3A_61 = arith.constant 0 : index
      %get3A_62 = vector.load %arg11[%get3A_60, %get3A_61] : memref<1x256xf32, #tpu.memory_space<vmem>>, vector<1x256xf32>
      %reduce_sum3A = arith.constant dense<0.000000e+00> : vector<256xf32>
      %reduce_sum3A_63 = vector.multi_reduction <add>, %add3A_56, %reduce_sum3A [1] : vector<256x256xf32> to vector<256xf32>
      %broadcast_in_dim3A = vector.shape_cast %reduce_sum3A_63 : vector<256xf32> to vector<256x1xf32>
      %div3A = arith.constant 2.560000e+02 : f32
      %div3A_64 = vector.broadcast %div3A : f32 to vector<256x1xf32>
      %div3A_65 = arith.divf %broadcast_in_dim3A, %div3A_64 : vector<256x1xf32>
      %sub3A = vector.broadcast %div3A_65 : vector<256x1xf32> to vector<256x256xf32>
      %sub3A_66 = arith.subf %add3A_56, %sub3A : vector<256x256xf32>
      %integer_pow3A = arith.mulf %sub3A_66, %sub3A_66 : vector<256x256xf32>
      %reduce_sum3A_67 = arith.constant dense<0.000000e+00> : vector<256xf32>
      %reduce_sum3A_68 = vector.multi_reduction <add>, %integer_pow3A, %reduce_sum3A_67 [1] : vector<256x256xf32> to vector<256xf32>
      %broadcast_in_dim3A_69 = vector.shape_cast %reduce_sum3A_68 : vector<256xf32> to vector<256x1xf32>
      %div3A_70 = arith.constant 2.560000e+02 : f32
      %div3A_71 = vector.broadcast %div3A_70 : f32 to vector<256x1xf32>
      %div3A_72 = arith.divf %broadcast_in_dim3A_69, %div3A_71 : vector<256x1xf32>
      %sub3A_73 = vector.broadcast %div3A_65 : vector<256x1xf32> to vector<256x256xf32>
      %sub3A_74 = arith.subf %add3A_56, %sub3A_73 : vector<256x256xf32>
      %add3A_75 = arith.constant 9.99999974E-6 : f32
      %add3A_76 = vector.broadcast %add3A_75 : f32 to vector<256x1xf32>
      %add3A_77 = arith.addf %div3A_72, %add3A_76 : vector<256x1xf32>
      %rsqrt3A = math.rsqrt %add3A_77 : vector<256x1xf32>
      %mul3A_78 = vector.broadcast %rsqrt3A : vector<256x1xf32> to vector<256x256xf32>
      %mul3A_79 = arith.mulf %sub3A_74, %mul3A_78 : vector<256x256xf32>
      %mul3A_80 = vector.broadcast %get3A_59 : vector<1x256xf32> to vector<256x256xf32>
      %mul3A_81 = arith.mulf %mul3A_79, %mul3A_80 : vector<256x256xf32>
      %add3A_82 = vector.broadcast %get3A_62 : vector<1x256xf32> to vector<256x256xf32>
      %add3A_83 = arith.addf %mul3A_81, %add3A_82 : vector<256x256xf32>
      %tanh3A = math.tanh %add3A_83 : vector<256x256xf32>
      %convert_element_type3A_84 = arith.truncf %tanh3A : vector<256x256xf32> to vector<256x256xbf16>
      %get3A_85 = arith.constant 0 : index
      %get3A_86 = arith.constant 0 : index
      %get3A_87 = vector.load %arg12[%get3A_85, %get3A_86] : memref<256x256xbf16, #tpu.memory_space<vmem>>, vector<256x256xbf16>
      %dot_general3A_88 = arith.constant dense<0.000000e+00> : vector<256x256xf32>
      %dot_general3A_89 = tpu.matmul %convert_element_type3A_84, %get3A_87, %dot_general3A_88 {dimension_numbers = #tpu.dot_dimension_numbers<[1], [0], [0], [1], [0, 0, 1, 1], [], []>, transpose_lhs_hint = false} : vector<256x256xbf16>, vector<256x256xbf16>, vector<256x256xf32> -> vector<256x256xf32>
      %get3A_90 = arith.constant 0 : index
      %get3A_91 = arith.constant 0 : index
      %get3A_92 = vector.load %arg13[%get3A_90, %get3A_91] : memref<1x256xf32, #tpu.memory_space<vmem>>, vector<1x256xf32>
      %add3A_93 = vector.broadcast %get3A_92 : vector<1x256xf32> to vector<256x256xf32>
      %add3A_94 = arith.addf %dot_general3A_89, %add3A_93 : vector<256x256xf32>
      %mul3A_95 = arith.constant 256 : i32
      %mul3A_96 = arith.muli %get3A_2, %mul3A_95 : i32
      %min3A_97 = arith.constant 2048 : i32
      %min3A_98 = arith.minsi %mul3A_96, %min3A_97 : i32
      %multiple_of3A_99 = tpu.assume_multiple %min3A_98, 256 : i32
      %get3A_100 = arith.index_cast %multiple_of3A_99 : i32 to index
      %get3A_101 = arith.constant 0 : index
      %get3A_102 = vector.load %arg7[%get3A_100, %get3A_101] : memref<2304x256xf32, #tpu.memory_space<vmem>>, vector<256x256xf32>
      %iota3A_103 = tpu.iota {dimensions = array<i32: 0>} : vector<256x1xi32>
      %mul3A_104 = arith.constant 256 : i32
      %mul3A_105 = arith.muli %get3A_2, %mul3A_104 : i32
      %sub3A_106 = arith.subi %get3A_6, %mul3A_105 : i32
      %lt3A_107 = vector.broadcast %sub3A_106 : i32 to vector<256x1xi32>
      %lt3A_108 = arith.cmpi slt, %iota3A_103, %lt3A_107 : vector<256x1xi32>
      %mul3A_109 = arith.mulf %add3A_94, %get3A_102 : vector<256x256xf32>
      %jit3A = arith.constant 0.000000e+00 : f32
      %broadcast_in_dim3A_110 = vector.shape_cast %lt3A_108 : vector<256x1xi1> to vector<256x1xi1>
      %broadcast_in_dim3A_111 = vector.broadcast %broadcast_in_dim3A_110 : vector<256x1xi1> to vector<256x256xi1>
      %broadcast_in_dim3A_112 = vector.broadcast %jit3A : f32 to vector<256x256xf32>
      %select_n3A = arith.select %broadcast_in_dim3A_111, %mul3A_109, %broadcast_in_dim3A_112 : vector<256x256xi1>, vector<256x256xf32>
      %reduce_sum3A_113 = arith.constant dense<0.000000e+00> : vector<256xf32>
      %reduce_sum3A_114 = vector.multi_reduction <add>, %select_n3A, %reduce_sum3A_113 [0] : vector<256x256xf32> to vector<256xf32>
      %broadcast_in_dim3A_115 = vector.shape_cast %reduce_sum3A_114 : vector<256xf32> to vector<1x256xf32>
      %get3A_116 = arith.constant 0 : index
      %get3A_117 = arith.constant 0 : index
      %get3A_118 = vector.load %arg31[%get3A_116, %get3A_117] : memref<16x256xf32, #tpu.memory_space<vmem>>, vector<16x256xf32>
      %eq3A_119 = vector.broadcast %get3A_0 : i32 to vector<16x1xi32>
      %eq3A_120 = arith.cmpi eq, %iota3A, %eq3A_119 : vector<16x1xi32>
      %jit3A_121 = arith.constant 0.000000e+00 : f32
      %broadcast_in_dim3A_122 = vector.shape_cast %eq3A_120 : vector<16x1xi1> to vector<16x1xi1>
      %broadcast_in_dim3A_123 = vector.broadcast %broadcast_in_dim3A_122 : vector<16x1xi1> to vector<16x256xi1>
      %broadcast_in_dim3A_124 = vector.shape_cast %broadcast_in_dim3A_115 : vector<1x256xf32> to vector<1x256xf32>
      %broadcast_in_dim3A_125 = vector.broadcast %broadcast_in_dim3A_124 : vector<1x256xf32> to vector<16x256xf32>
      %broadcast_in_dim3A_126 = vector.broadcast %jit3A_121 : f32 to vector<16x256xf32>
      %select_n3A_127 = arith.select %broadcast_in_dim3A_123, %broadcast_in_dim3A_125, %broadcast_in_dim3A_126 : vector<16x256xi1>, vector<16x256xf32>
      %add3A_128 = arith.addf %get3A_118, %select_n3A_127 : vector<16x256xf32>
      %swap3A = arith.constant 0 : index
      %swap3A_129 = arith.constant 0 : index
      %swap3A_130 = vector.load %arg31[%swap3A, %swap3A_129] : memref<16x256xf32, #tpu.memory_space<vmem>>, vector<16x256xf32>
      tpu.vector_store %arg31[%swap3A, %swap3A_129], %add3A_128 {strides = array<i32>} : memref<16x256xf32, #tpu.memory_space<vmem>>, vector<16x256xf32>,
    } else {
    }
    %eq3A_21 = arith.constant 1 : i32
    %eq3A_22 = arith.cmpi eq, %arg0, %eq3A_21 : i32
    %and3A_23 = arith.andi %eq3A_22, %lt3A_3 : i1
    %eq3A_24 = arith.constant 0 : i32
    %eq3A_25 = arith.cmpi eq, %get3A_2, %eq3A_24 : i32
    %and3A_26 = arith.andi %and3A_23, %eq3A_25 : i1
    %convert_element_type3A_27 = arith.extui %and3A_26 : i1 to i32
    %cond3A_28 = arith.constant 0 : i32
    %cond3A_29 = arith.cmpi ne, %convert_element_type3A_27, %cond3A_28 : i32
    scf.if %cond3A_29 {
      %eq3A_40 = vector.broadcast %get3A_0 : i32 to vector<1x16xi32>
      %eq3A_41 = arith.cmpi eq, %iota3A_7, %eq3A_40 : vector<1x16xi32>
      %convert_element_type3A_42 = arith.extui %eq3A_41 : vector<1x16xi1> to vector<1x16xi32>
      %convert_element_type3A_43 = arith.sitofp %convert_element_type3A_42 : vector<1x16xi32> to vector<1x16xf32>
      %get3A_44 = arith.constant 0 : index
      %get3A_45 = arith.constant 0 : index
      %get3A_46 = vector.load %arg31[%get3A_44, %get3A_45] : memref<16x256xf32, #tpu.memory_space<vmem>>, vector<16x256xf32>
      %dot_general3A = arith.constant dense<0.000000e+00> : vector<1x256xf32>
      %dot_general3A_47 = tpu.matmul %convert_element_type3A_43, %get3A_46, %dot_general3A {dimension_numbers = #tpu.dot_dimension_numbers<[1], [0], [0], [1], [0, 0, 1, 1], [], []>, transpose_lhs_hint = false} : vector<1x16xf32>, vector<16x256xf32>, vector<1x256xf32> -> vector<1x256xf32>
      %get3A_48 = arith.constant 0 : index
      %get3A_49 = arith.constant 0 : index
      %get3A_50 = vector.load %arg15[%get3A_48, %get3A_49] : memref<256x384xf32, #tpu.memory_space<vmem>>, vector<256x384xf32>
      %dot_general3A_51 = arith.constant dense<0.000000e+00> : vector<1x384xf32>
      %dot_general3A_52 = tpu.matmul %dot_general3A_47, %get3A_50, %dot_general3A_51 {dimension_numbers = #tpu.dot_dimension_numbers<[1], [0], [0], [1], [0, 0, 1, 1], [], []>, transpose_lhs_hint = false} : vector<1x256xf32>, vector<256x384xf32>, vector<1x384xf32> -> vector<1x384xf32>
      %swap3A = arith.constant 0 : index
      %swap3A_53 = arith.constant 0 : index
      %swap3A_54 = vector.load %arg32[%swap3A, %swap3A_53] : memref<1x384xf32, #tpu.memory_space<vmem>>, vector<1x384xf32>
      tpu.vector_store %arg32[%swap3A, %swap3A_53], %dot_general3A_52 {strides = array<i32>} : memref<1x384xf32, #tpu.memory_space<vmem>>, vector<1x384xf32>,
      %get3A_55 = arith.constant 0 : index
      %get3A_56 = arith.constant 0 : index
      %get3A_57 = vector.load %arg22[%get3A_55, %get3A_56] : memref<256x1280xf32, #tpu.memory_space<vmem>>, vector<256x1280xf32>
      %dot_general3A_58 = arith.constant dense<0.000000e+00> : vector<1x1280xf32>
      %dot_general3A_59 = tpu.matmul %dot_general3A_47, %get3A_57, %dot_general3A_58 {dimension_numbers = #tpu.dot_dimension_numbers<[1], [0], [0], [1], [0, 0, 1, 1], [], []>, transpose_lhs_hint = false} : vector<1x256xf32>, vector<256x1280xf32>, vector<1x1280xf32> -> vector<1x1280xf32>
      %swap3A_60 = arith.constant 0 : index
      %swap3A_61 = arith.constant 0 : index
      %swap3A_62 = vector.load %arg33[%swap3A_60, %swap3A_61] : memref<1x1280xf32, #tpu.memory_space<vmem>>, vector<1x1280xf32>
      tpu.vector_store %arg33[%swap3A_60, %swap3A_61], %dot_general3A_59 {strides = array<i32>} : memref<1x1280xf32, #tpu.memory_space<vmem>>, vector<1x1280xf32>,
      %convert_element_type3A_63 = arith.sitofp %get3A_6 : i32 to f32
      %get3A_64 = arith.constant 0 : index
      %get3A_65 = arith.constant 0 : index
      %get3A_66 = vector.load %arg28[%get3A_64, %get3A_65] : memref<1x256xf32, #tpu.memory_space<vmem>>, vector<1x256xf32>
      %mul3A_67 = vector.broadcast %convert_element_type3A_63 : f32 to vector<1x256xf32>
      %mul3A_68 = arith.mulf %mul3A_67, %get3A_66 : vector<1x256xf32>
      %get3A_69 = arith.constant 0 : index
      %get3A_70 = arith.constant 0 : index
      %get3A_71 = vector.load %arg29[%get3A_69, %get3A_70] : memref<1x256xf32, #tpu.memory_space<vmem>>, vector<1x256xf32>
      %add3A = arith.addf %mul3A_68, %get3A_71 : vector<1x256xf32>
      %broadcast_in_dim3A = vector.shape_cast %add3A : vector<1x256xf32> to vector<1x1x1x256xf32>
      %swap3A_72 = arith.constant 0 : index
      %swap3A_73 = arith.constant 0 : index
      %swap3A_74 = arith.constant 0 : index
      %swap3A_75 = arith.constant 0 : index
      %swap3A_76 = vector.load %arg30[%swap3A_72, %swap3A_73, %swap3A_74, %swap3A_75] : memref<1x1x1x256xf32, #tpu.memory_space<vmem>>, vector<1x1x1x256xf32>
      tpu.vector_store %arg30[%swap3A_72, %swap3A_73, %swap3A_74, %swap3A_75], %broadcast_in_dim3A {strides = array<i32>} : memref<1x1x1x256xf32, #tpu.memory_space<vmem>>, vector<1x1x1x256xf32>,
    } else {
    }
    %eq3A_30 = arith.constant 1 : i32
    %eq3A_31 = arith.cmpi eq, %arg0, %eq3A_30 : i32
    %and3A_32 = arith.andi %eq3A_31, %lt3A_3 : i1
    %mul3A_33 = arith.constant 256 : i32
    %mul3A_34 = arith.muli %get3A_2, %mul3A_33 : i32
    %lt3A_35 = arith.cmpi slt, %mul3A_34, %get3A_6 : i32
    %and3A_36 = arith.andi %and3A_32, %lt3A_35 : i1
    %convert_element_type3A_37 = arith.extui %and3A_36 : i1 to i32
    %cond3A_38 = arith.constant 0 : i32
    %cond3A_39 = arith.cmpi ne, %convert_element_type3A_37, %cond3A_38 : i32
    scf.if %cond3A_39 {
      %get3A_40 = arith.index_cast %min3A_4 : i32 to index
      %get3A_41 = memref.load %arg3[%get3A_40] : memref<16xi32, #tpu.memory_space<smem>>
      %mul3A_42 = arith.constant 256 : i32
      %mul3A_43 = arith.muli %get3A_2, %mul3A_42 : i32
      %add3A = arith.addi %get3A_41, %mul3A_43 : i32
      %multiple_of3A = tpu.assume_multiple %add3A, 8 : i32
      %get3A_44 = arith.index_cast %multiple_of3A : i32 to index
      %get3A_45 = arith.constant 0 : index
      %get3A_46 = vector.load %arg6[%get3A_44, %get3A_45] : memref<16896x256xf32, #tpu.memory_space<vmem>>, vector<256x256xf32>
      %convert_element_type3A_47 = arith.truncf %get3A_46 : vector<256x256xf32> to vector<256x256xbf16>
      %get3A_48 = arith.constant 0 : index
      %get3A_49 = arith.constant 0 : index
      %get3A_50 = vector.load %arg14[%get3A_48, %get3A_49] : memref<256x384xbf16, #tpu.memory_space<vmem>>, vector<256x384xbf16>
      %dot_general3A = arith.constant dense<0.000000e+00> : vector<256x384xf32>
      %dot_general3A_51 = tpu.matmul %convert_element_type3A_47, %get3A_50, %dot_general3A {dimension_numbers = #tpu.dot_dimension_numbers<[1], [0], [0], [1], [0, 0, 1, 1], [], []>, transpose_lhs_hint = false} : vector<256x256xbf16>, vector<256x384xbf16>, vector<256x384xf32> -> vector<256x384xf32>
      %get3A_52 = arith.constant 0 : index
      %get3A_53 = arith.constant 0 : index
      %get3A_54 = vector.load %arg32[%get3A_52, %get3A_53] : memref<1x384xf32, #tpu.memory_space<vmem>>, vector<1x384xf32>
      %add3A_55 = vector.broadcast %get3A_54 : vector<1x384xf32> to vector<256x384xf32>
      %add3A_56 = arith.addf %dot_general3A_51, %add3A_55 : vector<256x384xf32>
      %get3A_57 = arith.constant 0 : index
      %get3A_58 = arith.constant 0 : index
      %get3A_59 = vector.load %arg16[%get3A_57, %get3A_58] : memref<1x384xf32, #tpu.memory_space<vmem>>, vector<1x384xf32>
      %add3A_60 = vector.broadcast %get3A_59 : vector<1x384xf32> to vector<256x384xf32>
      %add3A_61 = arith.addf %add3A_56, %add3A_60 : vector<256x384xf32>
      %get3A_62 = arith.constant 0 : index
      %get3A_63 = arith.constant 0 : index
      %get3A_64 = vector.load %arg17[%get3A_62, %get3A_63] : memref<1x384xf32, #tpu.memory_space<vmem>>, vector<1x384xf32>
      %get3A_65 = arith.constant 0 : index
      %get3A_66 = arith.constant 0 : index
      %get3A_67 = vector.load %arg18[%get3A_65, %get3A_66] : memref<1x384xf32, #tpu.memory_space<vmem>>, vector<1x384xf32>
      %reduce_sum3A = arith.constant dense<0.000000e+00> : vector<256xf32>
      %reduce_sum3A_68 = vector.multi_reduction <add>, %add3A_61, %reduce_sum3A [1] : vector<256x384xf32> to vector<256xf32>
      %broadcast_in_dim3A = vector.shape_cast %reduce_sum3A_68 : vector<256xf32> to vector<256x1xf32>
      %div3A = arith.constant 3.840000e+02 : f32
      %div3A_69 = vector.broadcast %div3A : f32 to vector<256x1xf32>
      %div3A_70 = arith.divf %broadcast_in_dim3A, %div3A_69 : vector<256x1xf32>
      %sub3A = vector.broadcast %div3A_70 : vector<256x1xf32> to vector<256x384xf32>
      %sub3A_71 = arith.subf %add3A_61, %sub3A : vector<256x384xf32>
      %integer_pow3A = arith.mulf %sub3A_71, %sub3A_71 : vector<256x384xf32>
      %reduce_sum3A_72 = arith.constant dense<0.000000e+00> : vector<256xf32>
      %reduce_sum3A_73 = vector.multi_reduction <add>, %integer_pow3A, %reduce_sum3A_72 [1] : vector<256x384xf32> to vector<256xf32>
      %broadcast_in_dim3A_74 = vector.shape_cast %reduce_sum3A_73 : vector<256xf32> to vector<256x1xf32>
      %div3A_75 = arith.constant 3.840000e+02 : f32
      %div3A_76 = vector.broadcast %div3A_75 : f32 to vector<256x1xf32>
      %div3A_77 = arith.divf %broadcast_in_dim3A_74, %div3A_76 : vector<256x1xf32>
      %sub3A_78 = vector.broadcast %div3A_70 : vector<256x1xf32> to vector<256x384xf32>
      %sub3A_79 = arith.subf %add3A_61, %sub3A_78 : vector<256x384xf32>
      %add3A_80 = arith.constant 9.99999974E-6 : f32
      %add3A_81 = vector.broadcast %add3A_80 : f32 to vector<256x1xf32>
      %add3A_82 = arith.addf %div3A_77, %add3A_81 : vector<256x1xf32>
      %rsqrt3A = math.rsqrt %add3A_82 : vector<256x1xf32>
      %mul3A_83 = vector.broadcast %rsqrt3A : vector<256x1xf32> to vector<256x384xf32>
      %mul3A_84 = arith.mulf %sub3A_79, %mul3A_83 : vector<256x384xf32>
      %mul3A_85 = vector.broadcast %get3A_64 : vector<1x384xf32> to vector<256x384xf32>
      %mul3A_86 = arith.mulf %mul3A_84, %mul3A_85 : vector<256x384xf32>
      %add3A_87 = vector.broadcast %get3A_67 : vector<1x384xf32> to vector<256x384xf32>
      %add3A_88 = arith.addf %mul3A_86, %add3A_87 : vector<256x384xf32>
      %tanh3A = math.tanh %add3A_88 : vector<256x384xf32>
      %convert_element_type3A_89 = arith.truncf %tanh3A : vector<256x384xf32> to vector<256x384xbf16>
      %get3A_90 = arith.constant 0 : index
      %get3A_91 = arith.constant 0 : index
      %get3A_92 = vector.load %arg19[%get3A_90, %get3A_91] : memref<384x256xbf16, #tpu.memory_space<vmem>>, vector<384x256xbf16>
      %dot_general3A_93 = arith.constant dense<0.000000e+00> : vector<256x256xf32>
      %dot_general3A_94 = tpu.matmul %convert_element_type3A_89, %get3A_92, %dot_general3A_93 {dimension_numbers = #tpu.dot_dimension_numbers<[1], [0], [0], [1], [0, 0, 1, 1], [], []>, transpose_lhs_hint = false} : vector<256x384xbf16>, vector<384x256xbf16>, vector<256x256xf32> -> vector<256x256xf32>
      %get3A_95 = arith.constant 0 : index
      %get3A_96 = arith.constant 0 : index
      %get3A_97 = vector.load %arg20[%get3A_95, %get3A_96] : memref<1x256xf32, #tpu.memory_space<vmem>>, vector<1x256xf32>
      %add3A_98 = vector.broadcast %get3A_97 : vector<1x256xf32> to vector<256x256xf32>
      %add3A_99 = arith.addf %dot_general3A_94, %add3A_98 : vector<256x256xf32>
      %mul3A_100 = arith.constant 256 : i32
      %mul3A_101 = arith.muli %get3A_2, %mul3A_100 : i32
      %min3A_102 = arith.constant 2048 : i32
      %min3A_103 = arith.minsi %mul3A_101, %min3A_102 : i32
      %multiple_of3A_104 = tpu.assume_multiple %min3A_103, 256 : i32
      %get3A_105 = arith.index_cast %multiple_of3A_104 : i32 to index
      %get3A_106 = arith.constant 0 : index
      %get3A_107 = vector.load %arg21[%get3A_105, %get3A_106] : memref<2304x1280xf32, #tpu.memory_space<vmem>>, vector<256x1280xf32>
      %get3A_108 = arith.constant 0 : index
      %get3A_109 = arith.constant 0 : index
      %get3A_110 = vector.load %arg33[%get3A_108, %get3A_109] : memref<1x1280xf32, #tpu.memory_space<vmem>>, vector<1x1280xf32>
      %add3A_111 = vector.broadcast %get3A_110 : vector<1x1280xf32> to vector<256x1280xf32>
      %add3A_112 = arith.addf %get3A_107, %add3A_111 : vector<256x1280xf32>
      %get3A_113 = arith.constant 0 : index
      %get3A_114 = arith.constant 0 : index
      %get3A_115 = vector.load %arg23[%get3A_113, %get3A_114] : memref<1x1280xf32, #tpu.memory_space<vmem>>, vector<1x1280xf32>
      %add3A_116 = vector.broadcast %get3A_115 : vector<1x1280xf32> to vector<256x1280xf32>
      %add3A_117 = arith.addf %add3A_112, %add3A_116 : vector<256x1280xf32>
      %get3A_118 = arith.constant 0 : index
      %get3A_119 = arith.constant 0 : index
      %get3A_120 = vector.load %arg24[%get3A_118, %get3A_119] : memref<1x1280xf32, #tpu.memory_space<vmem>>, vector<1x1280xf32>
      %get3A_121 = arith.constant 0 : index
      %get3A_122 = arith.constant 0 : index
      %get3A_123 = vector.load %arg25[%get3A_121, %get3A_122] : memref<1x1280xf32, #tpu.memory_space<vmem>>, vector<1x1280xf32>
      %reduce_sum3A_124 = arith.constant dense<0.000000e+00> : vector<256xf32>
      %reduce_sum3A_125 = vector.multi_reduction <add>, %add3A_117, %reduce_sum3A_124 [1] : vector<256x1280xf32> to vector<256xf32>
      %broadcast_in_dim3A_126 = vector.shape_cast %reduce_sum3A_125 : vector<256xf32> to vector<256x1xf32>
      %div3A_127 = arith.constant 1.280000e+03 : f32
      %div3A_128 = vector.broadcast %div3A_127 : f32 to vector<256x1xf32>
      %div3A_129 = arith.divf %broadcast_in_dim3A_126, %div3A_128 : vector<256x1xf32>
      %sub3A_130 = vector.broadcast %div3A_129 : vector<256x1xf32> to vector<256x1280xf32>
      %sub3A_131 = arith.subf %add3A_117, %sub3A_130 : vector<256x1280xf32>
      %integer_pow3A_132 = arith.mulf %sub3A_131, %sub3A_131 : vector<256x1280xf32>
      %reduce_sum3A_133 = arith.constant dense<0.000000e+00> : vector<256xf32>
      %reduce_sum3A_134 = vector.multi_reduction <add>, %integer_pow3A_132, %reduce_sum3A_133 [1] : vector<256x1280xf32> to vector<256xf32>
      %broadcast_in_dim3A_135 = vector.shape_cast %reduce_sum3A_134 : vector<256xf32> to vector<256x1xf32>
      %div3A_136 = arith.constant 1.280000e+03 : f32
      %div3A_137 = vector.broadcast %div3A_136 : f32 to vector<256x1xf32>
      %div3A_138 = arith.divf %broadcast_in_dim3A_135, %div3A_137 : vector<256x1xf32>
      %sub3A_139 = vector.broadcast %div3A_129 : vector<256x1xf32> to vector<256x1280xf32>
      %sub3A_140 = arith.subf %add3A_117, %sub3A_139 : vector<256x1280xf32>
      %add3A_141 = arith.constant 9.99999974E-6 : f32
      %add3A_142 = vector.broadcast %add3A_141 : f32 to vector<256x1xf32>
      %add3A_143 = arith.addf %div3A_138, %add3A_142 : vector<256x1xf32>
      %rsqrt3A_144 = math.rsqrt %add3A_143 : vector<256x1xf32>
      %mul3A_145 = vector.broadcast %rsqrt3A_144 : vector<256x1xf32> to vector<256x1280xf32>
      %mul3A_146 = arith.mulf %sub3A_140, %mul3A_145 : vector<256x1280xf32>
      %mul3A_147 = vector.broadcast %get3A_120 : vector<1x1280xf32> to vector<256x1280xf32>
      %mul3A_148 = arith.mulf %mul3A_146, %mul3A_147 : vector<256x1280xf32>
      %add3A_149 = vector.broadcast %get3A_123 : vector<1x1280xf32> to vector<256x1280xf32>
      %add3A_150 = arith.addf %mul3A_148, %add3A_149 : vector<256x1280xf32>
      %tanh3A_151 = math.tanh %add3A_150 : vector<256x1280xf32>
      %convert_element_type3A_152 = arith.truncf %tanh3A_151 : vector<256x1280xf32> to vector<256x1280xbf16>
      %get3A_153 = arith.constant 0 : index
      %get3A_154 = arith.constant 0 : index
      %get3A_155 = vector.load %arg26[%get3A_153, %get3A_154] : memref<1280x256xbf16, #tpu.memory_space<vmem>>, vector<1280x256xbf16>
      %dot_general3A_156 = arith.constant dense<0.000000e+00> : vector<256x256xf32>
      %dot_general3A_157 = tpu.matmul %convert_element_type3A_152, %get3A_155, %dot_general3A_156 {dimension_numbers = #tpu.dot_dimension_numbers<[1], [0], [0], [1], [0, 0, 1, 1], [], []>, transpose_lhs_hint = false} : vector<256x1280xbf16>, vector<1280x256xbf16>, vector<256x256xf32> -> vector<256x256xf32>
      %get3A_158 = arith.constant 0 : index
      %get3A_159 = arith.constant 0 : index
      %get3A_160 = vector.load %arg27[%get3A_158, %get3A_159] : memref<1x256xf32, #tpu.memory_space<vmem>>, vector<1x256xf32>
      %add3A_161 = vector.broadcast %get3A_160 : vector<1x256xf32> to vector<256x256xf32>
      %add3A_162 = arith.addf %dot_general3A_157, %add3A_161 : vector<256x256xf32>
      %iota3A_163 = tpu.iota {dimensions = array<i32: 0>} : vector<256x1xi32>
      %mul3A_164 = arith.constant 256 : i32
      %mul3A_165 = arith.muli %get3A_2, %mul3A_164 : i32
      %sub3A_166 = arith.subi %get3A_6, %mul3A_165 : i32
      %lt3A_167 = vector.broadcast %sub3A_166 : i32 to vector<256x1xi32>
      %lt3A_168 = arith.cmpi slt, %iota3A_163, %lt3A_167 : vector<256x1xi32>
      %mul3A_169 = arith.mulf %add3A_99, %add3A_162 : vector<256x256xf32>
      %jit3A = arith.constant 0.000000e+00 : f32
      %broadcast_in_dim3A_170 = vector.shape_cast %lt3A_168 : vector<256x1xi1> to vector<256x1xi1>
      %broadcast_in_dim3A_171 = vector.broadcast %broadcast_in_dim3A_170 : vector<256x1xi1> to vector<256x256xi1>
      %broadcast_in_dim3A_172 = vector.broadcast %jit3A : f32 to vector<256x256xf32>
      %select_n3A = arith.select %broadcast_in_dim3A_171, %mul3A_169, %broadcast_in_dim3A_172 : vector<256x256xi1>, vector<256x256xf32>
      %get3A_173 = arith.constant 0 : index
      %get3A_174 = arith.constant 0 : index
      %get3A_175 = arith.constant 0 : index
      %get3A_176 = arith.constant 0 : index
      %get3A_177 = vector.load %arg30[%get3A_173, %get3A_174, %get3A_175, %get3A_176] : memref<1x1x1x256xf32, #tpu.memory_space<vmem>>, vector<1x1x1x256xf32>
      %reduce_sum3A_178 = arith.constant dense<0.000000e+00> : vector<256xf32>
      %reduce_sum3A_179 = vector.multi_reduction <add>, %select_n3A, %reduce_sum3A_178 [0] : vector<256x256xf32> to vector<256xf32>
      %broadcast_in_dim3A_180 = vector.shape_cast %reduce_sum3A_179 : vector<256xf32> to vector<1x256xf32>
      %broadcast_in_dim3A_181 = vector.shape_cast %broadcast_in_dim3A_180 : vector<1x256xf32> to vector<1x1x1x256xf32>
      %add3A_182 = arith.addf %get3A_177, %broadcast_in_dim3A_181 : vector<1x1x1x256xf32>
      %swap3A = arith.constant 0 : index
      %swap3A_183 = arith.constant 0 : index
      %swap3A_184 = arith.constant 0 : index
      %swap3A_185 = arith.constant 0 : index
      %swap3A_186 = vector.load %arg30[%swap3A, %swap3A_183, %swap3A_184, %swap3A_185] : memref<1x1x1x256xf32, #tpu.memory_space<vmem>>, vector<1x1x1x256xf32>
      tpu.vector_store %arg30[%swap3A, %swap3A_183, %swap3A_184, %swap3A_185], %add3A_182 {strides = array<i32>} : memref<1x1x1x256xf32, #tpu.memory_space<vmem>>, vector<1x1x1x256xf32>,
    } else {
    }
    return
  }
  func.func @transform_0(%arg0: i32, %arg1: i32, %arg2: memref<16xi32, #tpu.memory_space<smem>>, %arg3: memref<16xi32, #tpu.memory_space<smem>>, %arg4: memref<80xi32, #tpu.memory_space<smem>>, %arg5: memref<80xi32, #tpu.memory_space<smem>>) -> (i32, i32) {
    %c0_i32 = arith.constant 0 : i32
    %c0_i32_0 = arith.constant 0 : i32
    %c0_i32_1 = arith.constant 0 : i32
    return %c0_i32, %c0_i32_0 : i32, i32
  }
  func.func @transform_1(%arg0: i32, %arg1: i32, %arg2: memref<16xi32, #tpu.memory_space<smem>>, %arg3: memref<16xi32, #tpu.memory_space<smem>>, %arg4: memref<80xi32, #tpu.memory_space<smem>>, %arg5: memref<80xi32, #tpu.memory_space<smem>>) -> (i32, i32) {
    %c0_i32 = arith.constant 0 : i32
    %c0_i32_0 = arith.constant 0 : i32
    %c0_i32_1 = arith.constant 0 : i32
    return %c0_i32, %c0_i32_0 : i32, i32
  }
  func.func @transform_2(%arg0: i32, %arg1: i32, %arg2: memref<16xi32, #tpu.memory_space<smem>>, %arg3: memref<16xi32, #tpu.memory_space<smem>>, %arg4: memref<80xi32, #tpu.memory_space<smem>>, %arg5: memref<80xi32, #tpu.memory_space<smem>>) -> (i32, i32) {
    %c0_i32 = arith.constant 0 : i32
    %c0_i32_0 = arith.constant 0 : i32
    %c0_i32_1 = arith.constant 0 : i32
    return %c0_i32, %c0_i32_0 : i32, i32
  }
  func.func @transform_3(%arg0: i32, %arg1: i32, %arg2: memref<16xi32, #tpu.memory_space<smem>>, %arg3: memref<16xi32, #tpu.memory_space<smem>>, %arg4: memref<80xi32, #tpu.memory_space<smem>>, %arg5: memref<80xi32, #tpu.memory_space<smem>>) -> (i32, i32) {
    %c0_i32 = arith.constant 0 : i32
    %c0_i32_0 = arith.constant 0 : i32
    %c0_i32_1 = arith.constant 0 : i32
    return %c0_i32, %c0_i32_0 : i32, i32
  }
  func.func @transform_4(%arg0: i32, %arg1: i32, %arg2: memref<16xi32, #tpu.memory_space<smem>>, %arg3: memref<16xi32, #tpu.memory_space<smem>>, %arg4: memref<80xi32, #tpu.memory_space<smem>>, %arg5: memref<80xi32, #tpu.memory_space<smem>>) -> (i32, i32) {
    %c0_i32 = arith.constant 0 : i32
    %c0_i32_0 = arith.constant 0 : i32
    %c0_i32_1 = arith.constant 0 : i32
    return %c0_i32, %c0_i32_0 : i32, i32
  }
  func.func @transform_5(%arg0: i32, %arg1: i32, %arg2: memref<16xi32, #tpu.memory_space<smem>>, %arg3: memref<16xi32, #tpu.memory_space<smem>>, %arg4: memref<80xi32, #tpu.memory_space<smem>>, %arg5: memref<80xi32, #tpu.memory_space<smem>>) -> (i32, i32) {
    %c0_i32 = arith.constant 0 : i32
    %c0_i32_0 = arith.constant 0 : i32
    %c0_i32_1 = arith.constant 0 : i32
    return %c0_i32, %c0_i32_0 : i32, i32
  }
  func.func @transform_6(%arg0: i32, %arg1: i32, %arg2: memref<16xi32, #tpu.memory_space<smem>>, %arg3: memref<16xi32, #tpu.memory_space<smem>>, %arg4: memref<80xi32, #tpu.memory_space<smem>>, %arg5: memref<80xi32, #tpu.memory_space<smem>>) -> (i32, i32) {
    %c0_i32 = arith.constant 0 : i32
    %c0_i32_0 = arith.constant 0 : i32
    %c0_i32_1 = arith.constant 0 : i32
    return %c0_i32, %c0_i32_0 : i32, i32
  }
  func.func @transform_7(%arg0: i32, %arg1: i32, %arg2: memref<16xi32, #tpu.memory_space<smem>>, %arg3: memref<16xi32, #tpu.memory_space<smem>>, %arg4: memref<80xi32, #tpu.memory_space<smem>>, %arg5: memref<80xi32, #tpu.memory_space<smem>>) -> (i32, i32) {
    %c0_i32 = arith.constant 0 : i32
    %c0_i32_0 = arith.constant 0 : i32
    %c0_i32_1 = arith.constant 0 : i32
    return %c0_i32, %c0_i32_0 : i32, i32
  }
  func.func @transform_8(%arg0: i32, %arg1: i32, %arg2: memref<16xi32, #tpu.memory_space<smem>>, %arg3: memref<16xi32, #tpu.memory_space<smem>>, %arg4: memref<80xi32, #tpu.memory_space<smem>>, %arg5: memref<80xi32, #tpu.memory_space<smem>>) -> (i32, i32) {
    %c0_i32 = arith.constant 0 : i32
    %c0_i32_0 = arith.constant 0 : i32
    %c0_i32_1 = arith.constant 0 : i32
    return %c0_i32, %c0_i32_0 : i32, i32
  }
  func.func @transform_9(%arg0: i32, %arg1: i32, %arg2: memref<16xi32, #tpu.memory_space<smem>>, %arg3: memref<16xi32, #tpu.memory_space<smem>>, %arg4: memref<80xi32, #tpu.memory_space<smem>>, %arg5: memref<80xi32, #tpu.memory_space<smem>>) -> (i32, i32) {
    %c0_i32 = arith.constant 0 : i32
    %c0_i32_0 = arith.constant 0 : i32
    %c0_i32_1 = arith.constant 0 : i32
    return %c0_i32, %c0_i32_0 : i32, i32
  }
  func.func @transform_10(%arg0: i32, %arg1: i32, %arg2: memref<16xi32, #tpu.memory_space<smem>>, %arg3: memref<16xi32, #tpu.memory_space<smem>>, %arg4: memref<80xi32, #tpu.memory_space<smem>>, %arg5: memref<80xi32, #tpu.memory_space<smem>>) -> (i32, i32) {
    %c0_i32 = arith.constant 0 : i32
    %c0_i32_0 = arith.constant 0 : i32
    %c0_i32_1 = arith.constant 0 : i32
    return %c0_i32, %c0_i32_0 : i32, i32
  }
  func.func @transform_11(%arg0: i32, %arg1: i32, %arg2: memref<16xi32, #tpu.memory_space<smem>>, %arg3: memref<16xi32, #tpu.memory_space<smem>>, %arg4: memref<80xi32, #tpu.memory_space<smem>>, %arg5: memref<80xi32, #tpu.memory_space<smem>>) -> (i32, i32) {
    %c0_i32 = arith.constant 0 : i32
    %c0_i32_0 = arith.constant 0 : i32
    %c0_i32_1 = arith.constant 0 : i32
    return %c0_i32, %c0_i32_0 : i32, i32
  }
  func.func @transform_12(%arg0: i32, %arg1: i32, %arg2: memref<16xi32, #tpu.memory_space<smem>>, %arg3: memref<16xi32, #tpu.memory_space<smem>>, %arg4: memref<80xi32, #tpu.memory_space<smem>>, %arg5: memref<80xi32, #tpu.memory_space<smem>>) -> (i32, i32) {
    %c0_i32 = arith.constant 0 : i32
    %c0_i32_0 = arith.constant 0 : i32
    %c0_i32_1 = arith.constant 0 : i32
    return %c0_i32, %c0_i32_0 : i32, i32
  }
  func.func @transform_13(%arg0: i32, %arg1: i32, %arg2: memref<16xi32, #tpu.memory_space<smem>>, %arg3: memref<16xi32, #tpu.memory_space<smem>>, %arg4: memref<80xi32, #tpu.memory_space<smem>>, %arg5: memref<80xi32, #tpu.memory_space<smem>>) -> (i32, i32) {
    %c0_i32 = arith.constant 0 : i32
    %c0_i32_0 = arith.constant 0 : i32
    %c0_i32_1 = arith.constant 0 : i32
    return %c0_i32, %c0_i32_0 : i32, i32
  }
  func.func @transform_14(%arg0: i32, %arg1: i32, %arg2: memref<16xi32, #tpu.memory_space<smem>>, %arg3: memref<16xi32, #tpu.memory_space<smem>>, %arg4: memref<80xi32, #tpu.memory_space<smem>>, %arg5: memref<80xi32, #tpu.memory_space<smem>>) -> (i32, i32) {
    %c0_i32 = arith.constant 0 : i32
    %c0_i32_0 = arith.constant 0 : i32
    %c0_i32_1 = arith.constant 0 : i32
    return %c0_i32, %c0_i32_0 : i32, i32
  }
  func.func @transform_15(%arg0: i32, %arg1: i32, %arg2: memref<16xi32, #tpu.memory_space<smem>>, %arg3: memref<16xi32, #tpu.memory_space<smem>>, %arg4: memref<80xi32, #tpu.memory_space<smem>>, %arg5: memref<80xi32, #tpu.memory_space<smem>>) -> (i32, i32) {
    %c0_i32 = arith.constant 0 : i32
    %c0_i32_0 = arith.constant 0 : i32
    %c0_i32_1 = arith.constant 0 : i32
    return %c0_i32, %c0_i32_0 : i32, i32
  }
  func.func @transform_16(%arg0: i32, %arg1: i32, %arg2: memref<16xi32, #tpu.memory_space<smem>>, %arg3: memref<16xi32, #tpu.memory_space<smem>>, %arg4: memref<80xi32, #tpu.memory_space<smem>>, %arg5: memref<80xi32, #tpu.memory_space<smem>>) -> (i32, i32) {
    %c0_i32 = arith.constant 0 : i32
    %c0_i32_0 = arith.constant 0 : i32
    %c0_i32_1 = arith.constant 0 : i32
    return %c0_i32, %c0_i32_0 : i32, i32
  }
  func.func @transform_17(%arg0: i32, %arg1: i32, %arg2: memref<16xi32, #tpu.memory_space<smem>>, %arg3: memref<16xi32, #tpu.memory_space<smem>>, %arg4: memref<80xi32, #tpu.memory_space<smem>>, %arg5: memref<80xi32, #tpu.memory_space<smem>>) -> (i32, i32) {
    %c0_i32 = arith.constant 0 : i32
    %c0_i32_0 = arith.constant 0 : i32
    %c0_i32_1 = arith.constant 0 : i32
    return %c0_i32, %c0_i32_0 : i32, i32
  }
  func.func @transform_18(%arg0: i32, %arg1: i32, %arg2: memref<16xi32, #tpu.memory_space<smem>>, %arg3: memref<16xi32, #tpu.memory_space<smem>>, %arg4: memref<80xi32, #tpu.memory_space<smem>>, %arg5: memref<80xi32, #tpu.memory_space<smem>>) -> (i32, i32) {
    %c0_i32 = arith.constant 0 : i32
    %c0_i32_0 = arith.constant 0 : i32
    %c0_i32_1 = arith.constant 0 : i32
    return %c0_i32, %c0_i32_0 : i32, i32
  }
  func.func @transform_19(%arg0: i32, %arg1: i32, %arg2: memref<16xi32, #tpu.memory_space<smem>>, %arg3: memref<16xi32, #tpu.memory_space<smem>>, %arg4: memref<80xi32, #tpu.memory_space<smem>>, %arg5: memref<80xi32, #tpu.memory_space<smem>>) -> (i32, i32) {
    %c0_i32 = arith.constant 0 : i32
    %c0_i32_0 = arith.constant 0 : i32
    %c0_i32_1 = arith.constant 0 : i32
    return %c0_i32, %c0_i32_0 : i32, i32
  }
  func.func @transform_20(%arg0: i32, %arg1: i32, %arg2: memref<16xi32, #tpu.memory_space<smem>>, %arg3: memref<16xi32, #tpu.memory_space<smem>>, %arg4: memref<80xi32, #tpu.memory_space<smem>>, %arg5: memref<80xi32, #tpu.memory_space<smem>>) -> (i32, i32) {
    %c0_i32 = arith.constant 0 : i32
    %c0_i32_0 = arith.constant 0 : i32
    %c0_i32_1 = arith.constant 0 : i32
    return %c0_i32, %c0_i32_0 : i32, i32
  }
  func.func @transform_21(%arg0: i32, %arg1: i32, %arg2: memref<16xi32, #tpu.memory_space<smem>>, %arg3: memref<16xi32, #tpu.memory_space<smem>>, %arg4: memref<80xi32, #tpu.memory_space<smem>>, %arg5: memref<80xi32, #tpu.memory_space<smem>>) -> (i32, i32) {
    %c0_i32 = arith.constant 0 : i32
    %c0_i32_0 = arith.constant 0 : i32
    %c0_i32_1 = arith.constant 0 : i32
    return %c0_i32, %c0_i32_0 : i32, i32
  }
  func.func @transform_22(%arg0: i32, %arg1: i32, %arg2: memref<16xi32, #tpu.memory_space<smem>>, %arg3: memref<16xi32, #tpu.memory_space<smem>>, %arg4: memref<80xi32, #tpu.memory_space<smem>>, %arg5: memref<80xi32, #tpu.memory_space<smem>>) -> (i32, i32) {
    %c0_i32 = arith.constant 0 : i32
    %c0_i32_0 = arith.constant 0 : i32
    %c0_i32_1 = arith.constant 0 : i32
    return %c0_i32, %c0_i32_0 : i32, i32
  }
  func.func @transform_23(%arg0: i32, %arg1: i32, %arg2: memref<16xi32, #tpu.memory_space<smem>>, %arg3: memref<16xi32, #tpu.memory_space<smem>>, %arg4: memref<80xi32, #tpu.memory_space<smem>>, %arg5: memref<80xi32, #tpu.memory_space<smem>>) -> (i32, i32) {
    %c0_i32 = arith.constant 0 : i32
    %c0_i32_0 = arith.constant 0 : i32
    %c0_i32_1 = arith.constant 0 : i32
    return %c0_i32, %c0_i32_0 : i32, i32
  }
  func.func @transform_24(%arg0: i32, %arg1: i32, %arg2: memref<16xi32, #tpu.memory_space<smem>>, %arg3: memref<16xi32, #tpu.memory_space<smem>>, %arg4: memref<80xi32, #tpu.memory_space<smem>>, %arg5: memref<80xi32, #tpu.memory_space<smem>>) -> (i32, i32, i32, i32) {
    %get3A = arith.index_cast %arg1 : i32 to index
    %get3A_0 = memref.load %arg4[%get3A] : memref<80xi32, #tpu.memory_space<smem>>
    %min3A = arith.constant 15 : i32
    %min3A_1 = arith.minsi %get3A_0, %min3A : i32
    %c0_i32 = arith.constant 0 : i32
    %c0_i32_2 = arith.constant 0 : i32
    %c0_i32_3 = arith.constant 0 : i32
    return %arg0, %min3A_1, %c0_i32, %c0_i32_2 : i32, i32, i32, i32
  }
}

module attributes {stable_mosaic.version = 14 : i64} {
  func.func @_table_kernel(%arg0: memref<2304x1152xf32, #tpu.memory_space<vmem>>, %arg1: memref<1x1152xf32, #tpu.memory_space<vmem>>, %arg2: memref<1x1152xf32, #tpu.memory_space<vmem>>, %arg3: memref<1x1152xf32, #tpu.memory_space<vmem>>, %arg4: memref<1152x256xbf16, #tpu.memory_space<vmem>>, %arg5: memref<1x256xf32, #tpu.memory_space<vmem>>, %arg6: memref<2304x256xf32, #tpu.memory_space<vmem>>) attributes {dimension_semantics = [], scalar_prefetch = 0 : i64, scratch_operands = 0 : i64, tpu.core_type = #tpu.core_type<tc>} {
    %get3A = arith.constant 0 : index
    %get3A_0 = arith.constant 0 : index
    %get3A_1 = vector.load %arg0[%get3A, %get3A_0] : memref<2304x1152xf32, #tpu.memory_space<vmem>>, vector<2304x1152xf32>
    %get3A_2 = arith.constant 0 : index
    %get3A_3 = arith.constant 0 : index
    %get3A_4 = vector.load %arg1[%get3A_2, %get3A_3] : memref<1x1152xf32, #tpu.memory_space<vmem>>, vector<1x1152xf32>
    %add3A = vector.broadcast %get3A_4 : vector<1x1152xf32> to vector<2304x1152xf32>
    %add3A_5 = arith.addf %get3A_1, %add3A : vector<2304x1152xf32>
    %get3A_6 = arith.constant 0 : index
    %get3A_7 = arith.constant 0 : index
    %get3A_8 = vector.load %arg2[%get3A_6, %get3A_7] : memref<1x1152xf32, #tpu.memory_space<vmem>>, vector<1x1152xf32>
    %get3A_9 = arith.constant 0 : index
    %get3A_10 = arith.constant 0 : index
    %get3A_11 = vector.load %arg3[%get3A_9, %get3A_10] : memref<1x1152xf32, #tpu.memory_space<vmem>>, vector<1x1152xf32>
    %reduce_sum3A = arith.constant dense<0.000000e+00> : vector<2304xf32>
    %reduce_sum3A_12 = vector.multi_reduction <add>, %add3A_5, %reduce_sum3A [1] : vector<2304x1152xf32> to vector<2304xf32>
    %broadcast_in_dim3A = vector.shape_cast %reduce_sum3A_12 : vector<2304xf32> to vector<2304x1xf32>
    %div3A = arith.constant 1.152000e+03 : f32
    %div3A_13 = vector.broadcast %div3A : f32 to vector<2304x1xf32>
    %div3A_14 = arith.divf %broadcast_in_dim3A, %div3A_13 : vector<2304x1xf32>
    %sub3A = vector.broadcast %div3A_14 : vector<2304x1xf32> to vector<2304x1152xf32>
    %sub3A_15 = arith.subf %add3A_5, %sub3A : vector<2304x1152xf32>
    %integer_pow3A = arith.mulf %sub3A_15, %sub3A_15 : vector<2304x1152xf32>
    %reduce_sum3A_16 = arith.constant dense<0.000000e+00> : vector<2304xf32>
    %reduce_sum3A_17 = vector.multi_reduction <add>, %integer_pow3A, %reduce_sum3A_16 [1] : vector<2304x1152xf32> to vector<2304xf32>
    %broadcast_in_dim3A_18 = vector.shape_cast %reduce_sum3A_17 : vector<2304xf32> to vector<2304x1xf32>
    %div3A_19 = arith.constant 1.152000e+03 : f32
    %div3A_20 = vector.broadcast %div3A_19 : f32 to vector<2304x1xf32>
    %div3A_21 = arith.divf %broadcast_in_dim3A_18, %div3A_20 : vector<2304x1xf32>
    %sub3A_22 = vector.broadcast %div3A_14 : vector<2304x1xf32> to vector<2304x1152xf32>
    %sub3A_23 = arith.subf %add3A_5, %sub3A_22 : vector<2304x1152xf32>
    %add3A_24 = arith.constant 9.99999974E-6 : f32
    %add3A_25 = vector.broadcast %add3A_24 : f32 to vector<2304x1xf32>
    %add3A_26 = arith.addf %div3A_21, %add3A_25 : vector<2304x1xf32>
    %rsqrt3A = math.rsqrt %add3A_26 : vector<2304x1xf32>
    %mul3A = vector.broadcast %rsqrt3A : vector<2304x1xf32> to vector<2304x1152xf32>
    %mul3A_27 = arith.mulf %sub3A_23, %mul3A : vector<2304x1152xf32>
    %mul3A_28 = vector.broadcast %get3A_8 : vector<1x1152xf32> to vector<2304x1152xf32>
    %mul3A_29 = arith.mulf %mul3A_27, %mul3A_28 : vector<2304x1152xf32>
    %add3A_30 = vector.broadcast %get3A_11 : vector<1x1152xf32> to vector<2304x1152xf32>
    %add3A_31 = arith.addf %mul3A_29, %add3A_30 : vector<2304x1152xf32>
    %tanh3A = math.tanh %add3A_31 : vector<2304x1152xf32>
    %convert_element_type3A = arith.truncf %tanh3A : vector<2304x1152xf32> to vector<2304x1152xbf16>
    %get3A_32 = arith.constant 0 : index
    %get3A_33 = arith.constant 0 : index
    %get3A_34 = vector.load %arg4[%get3A_32, %get3A_33] : memref<1152x256xbf16, #tpu.memory_space<vmem>>, vector<1152x256xbf16>
    %dot_general3A = arith.constant dense<0.000000e+00> : vector<2304x256xf32>
    %dot_general3A_35 = tpu.matmul %convert_element_type3A, %get3A_34, %dot_general3A {dimension_numbers = #tpu.dot_dimension_numbers<[1], [0], [0], [1], [0, 0, 1, 1], [], []>, transpose_lhs_hint = false} : vector<2304x1152xbf16>, vector<1152x256xbf16>, vector<2304x256xf32> -> vector<2304x256xf32>
    %get3A_36 = arith.constant 0 : index
    %get3A_37 = arith.constant 0 : index
    %get3A_38 = vector.load %arg5[%get3A_36, %get3A_37] : memref<1x256xf32, #tpu.memory_space<vmem>>, vector<1x256xf32>
    %add3A_39 = vector.broadcast %get3A_38 : vector<1x256xf32> to vector<2304x256xf32>
    %add3A_40 = arith.addf %dot_general3A_35, %add3A_39 : vector<2304x256xf32>
    %swap3A = arith.constant 0 : index
    %swap3A_41 = arith.constant 0 : index
    %swap3A_42 = vector.load %arg6[%swap3A, %swap3A_41] : memref<2304x256xf32, #tpu.memory_space<vmem>>, vector<2304x256xf32>
    tpu.vector_store %arg6[%swap3A, %swap3A_41], %add3A_40 {strides = array<i32>} : memref<2304x256xf32, #tpu.memory_space<vmem>>, vector<2304x256xf32>,
    return
  }
}

</mosaic_0001>

<sc_bundles>
// kernel: kernel.7.cloned.1.call-start
scs
__scs_entry_jumppad:
0x0: {  	(pc) =	sbr.rel $0x88, $3  }
0x1: {  	(tag) =	ssettag $0x0;
	lr =	simm.s32 $0x1  }
0x2: {  	[smem:$0x3F83] =	sst lr;
	_ =	strace $0xD0000000  }
0x3: {  	_ = 	snop  }
0x4: {  	_ = 	snop  }
0x5: {  	_ = 	snop  }
0x6: {  	_ = 	snop  }
0x7: {  	_ = 	snop  }
__scs_overlays_trampoline_lowered:
0x8: {  	[smem:$0x3F92] =	sst s0  }
0x9: {  	[smem:$0x3F93] =	sst s1  }
0xa: {  	[smem:$0x3F94] =	sst s2  }
0xb: {  	[smem:$0x3F95] =	sst s3  }
0xc: {  	[smem:$0x3F96] =	sst s4  }
0xd: {  	[smem:$0x3F97] =	sst s5  }
0xe: {  	[smem:$0x3F98] =	sst s6  }
0xf: {  	[smem:$0x3F99] =	sst s7  }
0x10: {  	[smem:$0x3F9A] =	sst s8  }
0x11: {  	[smem:$0x3F9B] =	sst s9;
	s0 =	simm.s32 @!p0 $0x0  }
0x12: {  	s1 =	sld [smem:$0x3F81];
	s0 =	simm.s32 @p0 $0x1  }
0x13: {  	[smem:$0x3F9C] =	sst s0;
	s0 =	simm.s32 @!p1 $0x0  }
0x14: {  	s2 =	sld [smem:$0x3F80];
	s0 =	simm.s32 @p1 $0x1  }
0x15: {  	[smem:$0x3F9D] =	sst s0;
	s0 =	simm.s32 @!p2 $0x0  }
0x16: {  	s3 =	sld [smem:$0x3FDB];
	s0 =	simm.s32 @p2 $0x1  }
0x17: {  	s4 =	simm.s32 $0x1BF5;
	[smem:$0x3F9F] =	sst s0  }
0x18: {  	s0 =	sld [smem:$0x3F82];
	_ =	swait.ge [sflag:s4], $0x0  }
0x19: {  	s7 =	sld [smem:$0x3F83]  }
0x1a: {  	s8 =	sadd.s32 $0xFFFFE003, lr  }
0x1b: {  	s9 =	sadd.s32 $0xFFFFFEF7, lr;
	s5 =	simm.s32 $0xFFFFFFFF;
	p2 =	slt.u32 s8, $0xFFFFF086  }
0x1c: {  	p1 =	slt.u32 s9, $0xF7A;
	s5 =	simm.s32 @!p2 $0x0  }
0x1d: {  	s5 =	simm.s32 @p1 $0x1;
	p0 =	seq.s32 s7, s2  }
0x1e: {  	s7 =	smul.u32 @!p0 $0xF7A, s2;
	p2 =	seq.s32 @!p0 s5, $0x0  }
0x1f: {  	s9 =	smul.u32 $0xF7A, s1;
	s8 =	simm.s32 @!p0 $0x1BF5;
	p2 =	por !p2, p0  }
0x20: {  	[sflag:s8] =	ssyncset.s32 @!p0 $0xFFFFF086;
	s6 =	sadd.s32 @!p0 s3, s7;
	s7 =	simm.s32 @!p0 $0x108  }
0x21: {  	s3 =	sadd.s32 s3, s9;
	s6 =	sadd.s32 @!p0 $0x88, s6;
	s7 =	simm.s32 @p2 $0x1082  }
0x22: {  	[simem:s7], [sflag:s8] =	dma.local @!p0 [hbm:s6], $0xF7A  }
0x23: {  	s9 =	sor.u32 $0xD0000000, s2;
	s6 =	simm.s32 $0x108;
	_ =	swait.ge @!p0 [sflag:s8], $0x0  }
0x24: {  	s3 =	sadd.s32 $0x88, s3;
	s6 =	simm.s32 @!p1 $0x1082;
	[sflag:s4] =	ssyncset.s32 $0xFFFFF086  }
0x25: {  	[simem:s6], [sflag:s4] =	dma.local [hbm:s3], $0xF7A  }
0x26: {  	[smem:$0x3F83] =	sst s1;
	(tag) =	ssettag s2;
	_ =	strace s9  }
0x27: {  	s1 =	sld [smem:$0x3F93]  }
0x28: {  	s2 =	sld [smem:$0x3F94]  }
0x29: {  	s4 =	sld [smem:$0x3F96]  }
0x2a: {  	p0 =	seq.s32 s5, $0x0;
	s5 =	sld [smem:$0x3F97]  }
0x2b: {  	s6 =	sld [smem:$0x3F98]  }
0x2c: {  	s7 =	sld [smem:$0x3F99]  }
0x2d: {  	s3 =	simm.s32 $0x108;
	s8 =	sld [smem:$0x3F9A]  }
0x2e: {  	s3 =	simm.s32 @!p0 $0x1082;
	s9 =	sld [smem:$0x3F9B]  }
0x2f: {  	lr =	sadd.s32 s0, s3;
	s0 =	sld [smem:$0x3F92]  }
0x30: {  	s3 =	sld [smem:$0x3F95]  }
0x31: {  	[smem:$0x3F9E] =	sst s10  }
0x32: {  	s10 =	sld [smem:$0x3F9C];
	_ =	sdelay $0x3  }
0x33: {  	p0 =	seq.s32 s10, $0x1;
	s10 =	sld [smem:$0x3F9E];
	_ =	sdelay $0x3  }
0x34: {  	[smem:$0x3F9E] =	sst s10  }
0x35: {  	s10 =	sld [smem:$0x3F9D];
	_ =	sdelay $0x3  }
0x36: {  	p1 =	seq.s32 s10, $0x1;
	s10 =	sld [smem:$0x3F9E];
	_ =	sdelay $0x3  }
0x37: {  	[smem:$0x3F9E] =	sst s10  }
0x38: {  	s10 =	sld [smem:$0x3F9F]  }
0x39: {  	_ = 	snop;
	(pc) =	sbr.ind lr, $3  }
0x3a: {  	_ = 	snop  }
0x3b: {  	_ = 	snop  }
0x3c: {  	p2 =	seq.s32 s10, $0x1;
	s10 =	sld [smem:$0x3F9E]  }
0x3d: {  	_ =	shalt  }
0x3e: {  	_ =	shalt  }
0x3f: {  	_ =	shalt  }
0x40: {  	_ =	shalt  }
0x41: {  	_ =	shalt  }
0x42: {  	_ =	shalt  }
0x43: {  	_ =	shalt  }
0x44: {  	_ =	shalt  }
0x45: {  	_ =	shalt  }
0x46: {  	_ =	shalt  }
0x47: {  	_ =	shalt  }
0x48: {  	_ =	shalt  }
0x49: {  	_ =	shalt  }
0x4a: {  	_ =	shalt  }
0x4b: {  	_ =	shalt  }
0x4c: {  	_ =	shalt  }
0x4d: {  	_ =	shalt  }
0x4e: {  	_ =	shalt  }
0x4f: {  	_ =	shalt  }
0x50: {  	_ =	shalt  }
0x51: {  	_ =	shalt  }
0x52: {  	_ =	shalt  }
0x53: {  	_ =	shalt  }
0x54: {  	_ =	shalt  }
0x55: {  	_ =	shalt  }
0x56: {  	_ =	shalt  }
0x57: {  	_ =	shalt  }
0x58: {  	_ =	shalt  }
0x59: {  	_ =	shalt  }
0x5a: {  	_ =	shalt  }
0x5b: {  	_ =	shalt  }
0x5c: {  	_ =	shalt  }
0x5d: {  	_ =	shalt  }
0x5e: {  	_ =	shalt  }
0x5f: {  	_ =	shalt  }
0x60: {  	_ =	shalt  }
0x61: {  	_ =	shalt  }
0x62: {  	_ =	shalt  }
0x63: {  	_ =	shalt  }
0x64: {  	_ =	shalt  }
0x65: {  	_ =	shalt  }
0x66: {  	_ =	shalt  }
0x67: {  	_ =	shalt  }
0x68: {  	_ =	shalt  }
0x69: {  	_ =	shalt  }
0x6a: {  	_ =	shalt  }
0x6b: {  	_ =	shalt  }
0x6c: {  	_ =	shalt  }
0x6d: {  	_ =	shalt  }
0x6e: {  	_ =	shalt  }
0x6f: {  	_ =	shalt  }
0x70: {  	_ =	shalt  }
0x71: {  	_ =	shalt  }
0x72: {  	_ =	shalt  }
0x73: {  	_ =	shalt  }
0x74: {  	_ =	shalt  }
0x75: {  	_ =	shalt  }
0x76: {  	_ =	shalt  }
0x77: {  	_ =	shalt  }
0x78: {  	_ =	shalt  }
0x79: {  	_ =	shalt  }
0x7a: {  	_ =	shalt  }
0x7b: {  	_ =	shalt  }
0x7c: {  	_ =	shalt  }
0x7d: {  	_ =	shalt  }
0x7e: {  	_ =	shalt  }
0x7f: {  	_ =	shalt  }
0x80: {  	_ =	shalt  }
0x81: {  	_ =	shalt  }
0x82: {  	_ =	shalt  }
0x83: {  	_ =	shalt  }
0x84: {  	_ =	shalt  }
0x85: {  	_ =	shalt  }
0x86: {  	_ =	shalt  }
0x87: {  	_ =	shalt  }
.Lfunc_end0:
.L_simem_size_0:
called_computation_lowered:
.L_overlay_start_0:
0x88: {  	s2 =	sld [smem:$0x3FD9]  }
0x89: {  	s3 =	sld [smem:$0x3FFE];
	_ =	sdelay $0x1  }
0x8a: {  	s1 =	srdreg.scid  }
0x8b: {  	s0 =	sand.u32 $0x1, s1  }
0x8c: {  	s17 =	sshll.u32 s0, $0xA;
	s2 =	sadd.s32 s3, s2  }
0x8d: {  	s2 =	sadd.s32 s2, s17  }
0x8e: {  	[smem:$0x3FAA] =	sst s2  }
0x8f: {  	_ = 	snop  }
0x90: {  	s2 =	sld [smem:$0x3FC9];
	(tm) =	ssettm $0x1  }
0x91: {  	s18 =	sld [smem:$0x3FFB];
	_ =	sdelay $0x3  }
0x92: {  	_ =	strace s18  }
0x93: {  	s3 =	sld [smem:$0x3FFC];
	_ =	sdelay $0x3  }
0x94: {  	_ =	strace s3  }
0x95: {  	s3 =	sld [smem:$0x3FFD];
	_ =	sdelay $0x3  }
0x96: {  	_ =	strace s3  }
0x97: {  	_ =	strace $0x8FFFFFFF  }
0x98: {  	s19 =	sld [smem:$0x3FDB];
	_ =	sdelay $0x1  }
0x99: {  	s4 =	simm.s32 $_scs_section_size  }
0x9a: {  	s5 =	simm.s32 $_size__tile_overlayer_lowered;
	s6 =	simm.s32 $_tile_overlayer_lowered  }
0x9b: {  	s22 =	simm.s32 $0x1BFF;
	s21 =	sshll.u32 s6, $0x1;
	s3 =	sadd.s32 s4, s19  }
0x9c: {  	s7 =	simm.s32 $0x0;
	s20 =	sshll.u32 s5, $0x1;
	s5 =	sadd.s32 s21, s3  }
0x9d: {  	[timem:s7], [sflag:s22] =	dma.local [hbm:s5], s20  }
0x9e: {  	_ =	swait.ge [sflag:s22], s20  }
0x9f: {  	s4 =	ssub.s32 $0x0, s20;
	[sflag:s22] =	ssyncset.done $0x0  }
0xa0: {  	[sflag:s22] =	ssyncadd.s32 s4;
	_ =	sdelay $0x1  }
0xa1: {  	s23 =	simm.s32 $0x1B8B  }
0xa2: {  	_ =	swait.ge [sflag:s23], $0x1  }
0xa3: {  	[sflag:s23] =	ssyncset.done $0x0  }
0xa4: {  	s25 =	simm.s32 $0x1B8E;
	s24 =	sld [smem:$0x3FFE];
	[sflag:s23] =	ssyncadd.s32 $0xFFFFFFFF  }
0xa5: {  	s26 =	simm.s32 $execute0_lowered;
	[smem:$0x3FD2] =	sst s25  }
0xa6: {  	s5 =	sshll.u32 s26, $0x1;
	_ =	strace $0x80000046;
	[dreg:$0x1] =	wrdreg $0xFFFFFFFF  }
0xa7: {  	s28 =	simm.s32 $_size_execute0_lowered;
	s3 =	sadd.s32 s3, s5;
	[dreg:$0x0] =	wrdreg $0x0  }
0xa8: {  	s5 =	sshll.u32 s28, $0x1;
	[dreg:$0x2] =	wrdreg s3  }
0xa9: {  	[dreg:$0x3] =	wrdreg s5  }
0xaa: {  	[dreg:$0x4] =	wrdreg $0xC0  }
0xab: {  	_ =	task [dreg:s7], $0x5FFFF  }
0xac: {  	[dreg:$0x1] =	wrdreg $0xFFFFFFFF  }
0xad: {  	[dreg:$0x0] =	wrdreg $0x60  }
0xae: {  	[dreg:$0x2] =	wrdreg s2  }
0xaf: {  	[dreg:$0x3] =	wrdreg s24  }
0xb0: {  	[dreg:$0x4] =	wrdreg $0x9  }
0xb1: {  	_ =	task.clear_ibuf [dreg:s7], $0x5FFFF;
	_ =	strace $0x90000046  }
0xb2: {  	s29 =	simm.s32 $0x9;
	_ =	strace $0x80000048  }
0xb3: {  	_ =	swait.ge [sflag:s29], $0x1  }
0xb4: {  	[sflag:s29] =	ssyncadd.s32 $0xFFFFFFFF  }
0xb5: {  	_ =	strace $0x90000048  }
0xb6: {  	_ =	sfence  }
0xb7: {  	s30 =	sld [smem:$0x0];
	_ =	sdelay $0x2  }
0xb8: {  	s31 =	sshll.u32 s1, $0xD;
	s1 =	sshrl.u32 s1, $0x2  }
0xb9: {  	s3 =	sand.u32 $0x4000, s31;
	s1 =	sadd.s32 s1, s30  }
0xba: {  	s0 =	sor.u32 s3, s0;
	s1 =	sshll.u32 s1, $0x11  }
0xbb: {  	s0 =	sor.u32 s1, s0  }
0xbc: {  	s0 =	sadd.s32 $0x8F2B, s0  }
0xbd: {  	[sflag:s0] =	ssyncadd.remote.s32 $0x1  }
0xbe: {  	_ =	sfence.sel $0xFFFF  }
0xbf: {  	[dreg:$0x0] =	wrdreg $0xFFFFFFFF;
	(pc) =	sbr.abs _section_cstart, $3  }
0xc0: {  	[dreg:$0x1] =	wrdreg $0xFFFFFFFF  }
0xc1: {  	_ =	task.clear_ibuf [dreg:s7], $0x2FFFF;
	_ =	strace $0x9FFFFFFF  }
0xc2: {  	(tm) =	ssettm $0x7FFFFFFF  }
0xc3: {  	_ =	shalt  }
tec
execute0_lowered:
.L_overlay_start_1:
0x0: {  	(tag) =	ssettag $0x1  }
0x1: {  	s11 =	rddreg [dreg:$0x0]  }
0x2: {  	s3 =	rddreg [dreg:$0x1]  }
0x3: {  	s0 =	rddreg [dreg:$0x2];
	s1 =	simm.s32 $0x0  }
0x4: {  	s4 =	srdreg.scid;
	s2 =	stileid.u32;
	s15 =	simm.s32 $0x880  }
0x5: {  	s16 =	simm.s32 $0x1080;
	s17 =	simm.s32 $0x1880;
	s18 =	simm.s32 $0x2080  }
0x6: {  	s19 =	simm.s32 $0x2880;
	s20 =	simm.s32 $0x3080;
	s21 =	simm.s32 $0x3880  }
0x7: {  	s22 =	simm.s32 $0x4080;
	s28 =	simm.s32 $0x6880;
	s29 =	simm.s32 $0x7080  }
0x8: {  	s30 =	simm.s32 $0x7880;
	s31 =	simm.s32 $0x1;
	[smem:$0x7FF] =	sst s1  }
0x9: {  	s10 =	sadd.s32 $0x3000, s3;
	s4 =	sand.u32 $0x1, s4;
	s6 =	sshll.u32 s2, $0xA  }
0xa: {  	s3 =	sadd.s32 $0x3800, s3;
	s5 =	ssub.s32 $0x2, s4;
	s4 =	sshll.u32 s4, $0x9  }
0xb: {  	_ =	strace $0x80000047;
	s7 =	sshrl.u32 s5, $0x1;
	s9 =	sor.u32 s4, s6  }
0xc: {  	s12 =	ssub.s32 s5, s7;
	s4 =	sshrl.u32 s9, $0x3;
	s23 =	sshll.u32 s9, $0x5  }
0xd: {  	s6 =	sor.u32 $0x80, s9;
	s13 =	sor.u32 $0x100, s9;
	s14 =	sor.u32 $0x180, s9  }
0xe: {  	s4 =	sadd.s32 s10, s4;
	s5 =	sadd.s32 s11, s23;
	s24 =	sshrl.u32 s6, $0x3  }
0xf: {  	s8 =	sshll.u32 s6, $0x5;
	s25 =	sshrl.u32 s13, $0x3;
	s13 =	sshll.u32 s13, $0x5  }
0x10: {  	s26 =	sshrl.u32 s14, $0x3;
	s14 =	sshll.u32 s14, $0x5;
	s12 =	smax.u32 s12, $0x1  }
0x11: {  	s23 =	simm.s32 $0x4880;
	s6 =	sadd.s32 s10, s24;
	s7 =	sadd.s32 s11, s8  }
0x12: {  	v2 =	vlaneseq.u32;
	s8 =	sadd.s32 s10, s25;
	s9 =	sadd.s32 s11, s13;
	s10 =	sadd.s32 s10, s26  }
0x13: {  	vm0 =	vmmov $0xffff;
	v1 =	vshrl.u32 v2, $0x3;
	s11 =	sadd.s32 s11, s14;
	s13 =	simm.s32 $0x2;
	s14 =	simm.s32 $0x80  }
0x14: {  	v0 =	vand.u32 $0x7, v2;
	v2 =	vor.u32 $0x8, v2;
	v1 =	vmul.u32 $0x8, v1;
	s24 =	simm.s32 $0x5080;
	s25 =	simm.s32 $0x5880;
	s26 =	simm.s32 $0x6080  }
.LBB2_1:
0x15: {  	[tilespmem:s1], [sflag:$0x2] =	stream.linear.gather [hbm4b:s4+s1], $0x80, $0x38;
	[tilespmem:$0x8080] =	vst v63  }
0x16: {  	_ =	swait.ge [sflag:s13], $0x80  }
0x17: {  	[sflag:s13] =	ssyncset.done $0x0  }
0x18: {  	[sflag:s13] =	ssyncadd.s32 $0xFFFFFF80  }
0x19: {  	[tilespmem:s14], [sflag:$0x2] =	stream.linear.gather [hbm4b:s5+s1], $0x8000, $0x38;
	[tilespmem:$0x8080] =	vst v63  }
0x1a: {  	_ =	swait.ge [sflag:s13], $0x8000  }
0x1b: {  	[sflag:s13] =	ssyncset.done $0x0  }
0x1c: {  	[sflag:s13] =	ssyncadd.s32 $0xFFFF8000  }
0x1d: {  	v3 =	vld [tilespmem:$0x0];
	_ =	sdelay $0x4  }
0x1e: {  	v4 =	vshll.u32 v3, $0x1  }
0x1f: {  	v3 =	vand.u32 $0x7, v3;
	v4 =	vand.u32 $0xFFFFFFF0, v4  }
0x20: {  	v3 =	vor.u32 v3, v4  }
0x21: {  	v4 =	vperm.xlane v3, v0;
	_ =	sdelay $0x1  }
0x22: {  	v3 =	vperm.xlane v3, v2;
	v4 =	vadd.s32 v1, v4;
	_ =	sdelay $0x1  }
0x23: {  	v3 =	vadd.s32 v1, v3;
	_ =	sdelay $0x2  }
0x24: {  	[hbm4b:s3+s1] =	stream.indirect_vreg.scatter [tilespmem:s14], [sflag:$0x1], $0x80, v4, vm0, $0xb8;
	[tilespmem:$0x8080] =	vst v63  }
0x25: {  	_ = 	snop  }
0x26: {  	[hbm4b:s3+s1] =	stream.indirect_vreg.scatter [tilespmem:s15], [sflag:$0x1], $0x80, v3, vm0, $0xb8;
	[tilespmem:$0x8080] =	vst v63  }
0x27: {  	v3 =	vld [tilespmem:$0x10];
	_ =	sdelay $0x4  }
0x28: {  	v33 =	vshll.u32 v3, $0x1  }
0x29: {  	v3 =	vand.u32 $0x7, v3;
	v4 =	vand.u32 $0xFFFFFFF0, v33  }
0x2a: {  	v3 =	vor.u32 v3, v4  }
0x2b: {  	v4 =	vperm.xlane v3, v0;
	_ =	sdelay $0x1  }
0x2c: {  	v3 =	vperm.xlane v3, v2;
	v4 =	vadd.s32 v1, v4;
	_ =	sdelay $0x1  }
0x2d: {  	v3 =	vadd.s32 v1, v3;
	_ =	sdelay $0x2  }
0x2e: {  	[hbm4b:s3+s1] =	stream.indirect_vreg.scatter [tilespmem:s16], [sflag:$0x1], $0x80, v4, vm0, $0xb8;
	[tilespmem:$0x8080] =	vst v63  }
0x2f: {  	_ = 	snop  }
0x30: {  	[hbm4b:s3+s1] =	stream.indirect_vreg.scatter [tilespmem:s17], [sflag:$0x1], $0x80, v3, vm0, $0xb8;
	[tilespmem:$0x8080] =	vst v63  }
0x31: {  	v3 =	vld [tilespmem:$0x20];
	_ =	sdelay $0x4  }
0x32: {  	v34 =	vshll.u32 v3, $0x1  }
0x33: {  	v3 =	vand.u32 $0x7, v3;
	v4 =	vand.u32 $0xFFFFFFF0, v34  }
0x34: {  	v3 =	vor.u32 v3, v4  }
0x35: {  	v4 =	vperm.xlane v3, v0;
	_ =	sdelay $0x1  }
0x36: {  	v3 =	vperm.xlane v3, v2;
	v4 =	vadd.s32 v1, v4;
	_ =	sdelay $0x1  }
0x37: {  	v3 =	vadd.s32 v1, v3;
	_ =	sdelay $0x2  }
0x38: {  	[hbm4b:s3+s1] =	stream.indirect_vreg.scatter [tilespmem:s18], [sflag:$0x1], $0x80, v4, vm0, $0xb8;
	[tilespmem:$0x8080] =	vst v63  }
0x39: {  	_ = 	snop  }
0x3a: {  	[hbm4b:s3+s1] =	stream.indirect_vreg.scatter [tilespmem:s19], [sflag:$0x1], $0x80, v3, vm0, $0xb8;
	[tilespmem:$0x8080] =	vst v63  }
0x3b: {  	v3 =	vld [tilespmem:$0x30];
	_ =	sdelay $0x4  }
0x3c: {  	v35 =	vshll.u32 v3, $0x1  }
0x3d: {  	v3 =	vand.u32 $0x7, v3;
	v4 =	vand.u32 $0xFFFFFFF0, v35  }
0x3e: {  	v3 =	vor.u32 v3, v4  }
0x3f: {  	v4 =	vperm.xlane v3, v0;
	_ =	sdelay $0x1  }
0x40: {  	v3 =	vperm.xlane v3, v2;
	v4 =	vadd.s32 v1, v4;
	_ =	sdelay $0x1  }
0x41: {  	v3 =	vadd.s32 v1, v3;
	_ =	sdelay $0x2  }
0x42: {  	[hbm4b:s3+s1] =	stream.indirect_vreg.scatter [tilespmem:s20], [sflag:$0x1], $0x80, v4, vm0, $0xb8;
	[tilespmem:$0x8080] =	vst v63  }
0x43: {  	_ = 	snop  }
0x44: {  	[hbm4b:s3+s1] =	stream.indirect_vreg.scatter [tilespmem:s21], [sflag:$0x1], $0x80, v3, vm0, $0xb8;
	[tilespmem:$0x8080] =	vst v63  }
0x45: {  	v3 =	vld [tilespmem:$0x40];
	_ =	sdelay $0x4  }
0x46: {  	v36 =	vshll.u32 v3, $0x1  }
0x47: {  	v3 =	vand.u32 $0x7, v3;
	v4 =	vand.u32 $0xFFFFFFF0, v36  }
0x48: {  	v3 =	vor.u32 v3, v4  }
0x49: {  	v4 =	vperm.xlane v3, v0;
	_ =	sdelay $0x1  }
0x4a: {  	v3 =	vperm.xlane v3, v2;
	v4 =	vadd.s32 v1, v4;
	_ =	sdelay $0x1  }
0x4b: {  	v3 =	vadd.s32 v1, v3;
	_ =	sdelay $0x2  }
0x4c: {  	[hbm4b:s3+s1] =	stream.indirect_vreg.scatter [tilespmem:s22], [sflag:$0x1], $0x80, v4, vm0, $0xb8;
	[tilespmem:$0x8080] =	vst v63  }
0x4d: {  	_ = 	snop  }
0x4e: {  	[hbm4b:s3+s1] =	stream.indirect_vreg.scatter [tilespmem:s23], [sflag:$0x1], $0x80, v3, vm0, $0xb8;
	[tilespmem:$0x8080] =	vst v63  }
0x4f: {  	v3 =	vld [tilespmem:$0x50];
	_ =	sdelay $0x4  }
0x50: {  	v37 =	vshll.u32 v3, $0x1  }
0x51: {  	v3 =	vand.u32 $0x7, v3;
	v4 =	vand.u32 $0xFFFFFFF0, v37  }
0x52: {  	v3 =	vor.u32 v3, v4  }
0x53: {  	v4 =	vperm.xlane v3, v0;
	_ =	sdelay $0x1  }
0x54: {  	v3 =	vperm.xlane v3, v2;
	v4 =	vadd.s32 v1, v4;
	_ =	sdelay $0x1  }
0x55: {  	v3 =	vadd.s32 v1, v3;
	_ =	sdelay $0x2  }
0x56: {  	[hbm4b:s3+s1] =	stream.indirect_vreg.scatter [tilespmem:s24], [sflag:$0x1], $0x80, v4, vm0, $0xb8;
	[tilespmem:$0x8080] =	vst v63  }
0x57: {  	_ = 	snop  }
0x58: {  	[hbm4b:s3+s1] =	stream.indirect_vreg.scatter [tilespmem:s25], [sflag:$0x1], $0x80, v3, vm0, $0xb8;
	[tilespmem:$0x8080] =	vst v63  }
0x59: {  	v3 =	vld [tilespmem:$0x60];
	_ =	sdelay $0x4  }
0x5a: {  	v38 =	vshll.u32 v3, $0x1  }
0x5b: {  	v3 =	vand.u32 $0x7, v3;
	v4 =	vand.u32 $0xFFFFFFF0, v38  }
0x5c: {  	v3 =	vor.u32 v3, v4  }
0x5d: {  	v4 =	vperm.xlane v3, v0;
	_ =	sdelay $0x1  }
0x5e: {  	v3 =	vperm.xlane v3, v2;
	v4 =	vadd.s32 v1, v4;
	_ =	sdelay $0x1  }
0x5f: {  	v3 =	vadd.s32 v1, v3;
	_ =	sdelay $0x2  }
0x60: {  	[hbm4b:s3+s1] =	stream.indirect_vreg.scatter [tilespmem:s26], [sflag:$0x1], $0x80, v4, vm0, $0xb8;
	[tilespmem:$0x8080] =	vst v63  }
0x61: {  	_ = 	snop  }
0x62: {  	[hbm4b:s3+s1] =	stream.indirect_vreg.scatter [tilespmem:s28], [sflag:$0x1], $0x80, v3, vm0, $0xb8;
	[tilespmem:$0x8080] =	vst v63  }
0x63: {  	v3 =	vld [tilespmem:$0x70];
	_ =	sdelay $0x4  }
0x64: {  	v39 =	vshll.u32 v3, $0x1  }
0x65: {  	v3 =	vand.u32 $0x7, v3;
	v4 =	vand.u32 $0xFFFFFFF0, v39  }
0x66: {  	v3 =	vor.u32 v3, v4  }
0x67: {  	v4 =	vperm.xlane v3, v0;
	_ =	sdelay $0x1  }
0x68: {  	v3 =	vperm.xlane v3, v2;
	v4 =	vadd.s32 v1, v4;
	_ =	sdelay $0x1  }
0x69: {  	v3 =	vadd.s32 v1, v3;
	_ =	sdelay $0x2  }
0x6a: {  	[hbm4b:s3+s1] =	stream.indirect_vreg.scatter [tilespmem:s29], [sflag:$0x1], $0x80, v4, vm0, $0xb8;
	[tilespmem:$0x8080] =	vst v63  }
0x6b: {  	_ = 	snop  }
0x6c: {  	[hbm4b:s3+s1] =	stream.indirect_vreg.scatter [tilespmem:s30], [sflag:$0x1], $0x80, v3, vm0, $0xb8;
	[tilespmem:$0x8080] =	vst v63  }
0x6d: {  	_ =	swait.ge [sflag:s31], $0x8000  }
0x6e: {  	[sflag:s31] =	ssyncset.done $0x0  }
0x6f: {  	[sflag:s31] =	ssyncadd.s32 $0xFFFF8000  }
0x70: {  	[tilespmem:s1], [sflag:$0x2] =	stream.linear.gather [hbm4b:s6+s1], $0x80, $0x38;
	[tilespmem:$0x8080] =	vst v63  }
0x71: {  	_ =	swait.ge [sflag:s13], $0x80  }
0x72: {  	[sflag:s13] =	ssyncset.done $0x0  }
0x73: {  	[sflag:s13] =	ssyncadd.s32 $0xFFFFFF80  }
0x74: {  	[tilespmem:s14], [sflag:$0x2] =	stream.linear.gather [hbm4b:s7+s1], $0x8000, $0x38;
	[tilespmem:$0x8080] =	vst v63  }
0x75: {  	_ =	swait.ge [sflag:s13], $0x8000  }
0x76: {  	[sflag:s13] =	ssyncset.done $0x0  }
0x77: {  	[sflag:s13] =	ssyncadd.s32 $0xFFFF8000  }
0x78: {  	v3 =	vld [tilespmem:$0x0];
	_ =	sdelay $0x4  }
0x79: {  	v40 =	vshll.u32 v3, $0x1  }
0x7a: {  	v3 =	vand.u32 $0x7, v3;
	v4 =	vand.u32 $0xFFFFFFF0, v40  }
0x7b: {  	v3 =	vor.u32 v3, v4  }
0x7c: {  	v4 =	vperm.xlane v3, v0;
	_ =	sdelay $0x1  }
0x7d: {  	v3 =	vperm.xlane v3, v2;
	v4 =	vadd.s32 v1, v4;
	_ =	sdelay $0x1  }
0x7e: {  	v3 =	vadd.s32 v1, v3;
	_ =	sdelay $0x2  }
0x7f: {  	[hbm4b:s3+s1] =	stream.indirect_vreg.scatter [tilespmem:s14], [sflag:$0x1], $0x80, v4, vm0, $0xb8;
	[tilespmem:$0x8080] =	vst v63  }
0x80: {  	_ = 	snop  }
0x81: {  	[hbm4b:s3+s1] =	stream.indirect_vreg.scatter [tilespmem:s15], [sflag:$0x1], $0x80, v3, vm0, $0xb8;
	[tilespmem:$0x8080] =	vst v63  }
0x82: {  	v3 =	vld [tilespmem:$0x10];
	_ =	sdelay $0x4  }
0x83: {  	v41 =	vshll.u32 v3, $0x1  }
0x84: {  	v3 =	vand.u32 $0x7, v3;
	v4 =	vand.u32 $0xFFFFFFF0, v41  }
0x85: {  	v3 =	vor.u32 v3, v4  }
0x86: {  	v4 =	vperm.xlane v3, v0;
	_ =	sdelay $0x1  }
0x87: {  	v3 =	vperm.xlane v3, v2;
	v4 =	vadd.s32 v1, v4;
	_ =	sdelay $0x1  }
0x88: {  	v3 =	vadd.s32 v1, v3;
	_ =	sdelay $0x2  }
0x89: {  	[hbm4b:s3+s1] =	stream.indirect_vreg.scatter [tilespmem:s16], [sflag:$0x1], $0x80, v4, vm0, $0xb8;
	[tilespmem:$0x8080] =	vst v63  }
0x8a: {  	_ = 	snop  }
0x8b: {  	[hbm4b:s3+s1] =	stream.indirect_vreg.scatter [tilespmem:s17], [sflag:$0x1], $0x80, v3, vm0, $0xb8;
	[tilespmem:$0x8080] =	vst v63  }
0x8c: {  	v3 =	vld [tilespmem:$0x20];
	_ =	sdelay $0x4  }
0x8d: {  	v42 =	vshll.u32 v3, $0x1  }
0x8e: {  	v3 =	vand.u32 $0x7, v3;
	v4 =	vand.u32 $0xFFFFFFF0, v42  }
0x8f: {  	v3 =	vor.u32 v3, v4  }
0x90: {  	v4 =	vperm.xlane v3, v0;
	_ =	sdelay $0x1  }
0x91: {  	v3 =	vperm.xlane v3, v2;
	v4 =	vadd.s32 v1, v4;
	_ =	sdelay $0x1  }
0x92: {  	v3 =	vadd.s32 v1, v3;
	_ =	sdelay $0x2  }
0x93: {  	[hbm4b:s3+s1] =	stream.indirect_vreg.scatter [tilespmem:s18], [sflag:$0x1], $0x80, v4, vm0, $0xb8;
	[tilespmem:$0x8080] =	vst v63  }
0x94: {  	_ = 	snop  }
0x95: {  	[hbm4b:s3+s1] =	stream.indirect_vreg.scatter [tilespmem:s19], [sflag:$0x1], $0x80, v3, vm0, $0xb8;
	[tilespmem:$0x8080] =	vst v63  }
0x96: {  	v3 =	vld [tilespmem:$0x30];
	_ =	sdelay $0x4  }
0x97: {  	v43 =	vshll.u32 v3, $0x1  }
0x98: {  	v3 =	vand.u32 $0x7, v3;
	v4 =	vand.u32 $0xFFFFFFF0, v43  }
0x99: {  	v3 =	vor.u32 v3, v4  }
0x9a: {  	v4 =	vperm.xlane v3, v0;
	_ =	sdelay $0x1  }
0x9b: {  	v3 =	vperm.xlane v3, v2;
	v4 =	vadd.s32 v1, v4;
	_ =	sdelay $0x1  }
0x9c: {  	v3 =	vadd.s32 v1, v3;
	_ =	sdelay $0x2  }
0x9d: {  	[hbm4b:s3+s1] =	stream.indirect_vreg.scatter [tilespmem:s20], [sflag:$0x1], $0x80, v4, vm0, $0xb8;
	[tilespmem:$0x8080] =	vst v63  }
0x9e: {  	_ = 	snop  }
0x9f: {  	[hbm4b:s3+s1] =	stream.indirect_vreg.scatter [tilespmem:s21], [sflag:$0x1], $0x80, v3, vm0, $0xb8;
	[tilespmem:$0x8080] =	vst v63  }
0xa0: {  	v3 =	vld [tilespmem:$0x40];
	_ =	sdelay $0x4  }
0xa1: {  	v44 =	vshll.u32 v3, $0x1  }
0xa2: {  	v3 =	vand.u32 $0x7, v3;
	v4 =	vand.u32 $0xFFFFFFF0, v44  }
0xa3: {  	v3 =	vor.u32 v3, v4  }
0xa4: {  	v4 =	vperm.xlane v3, v0;
	_ =	sdelay $0x1  }
0xa5: {  	v3 =	vperm.xlane v3, v2;
	v4 =	vadd.s32 v1, v4;
	_ =	sdelay $0x1  }
0xa6: {  	v3 =	vadd.s32 v1, v3;
	_ =	sdelay $0x2  }
0xa7: {  	[hbm4b:s3+s1] =	stream.indirect_vreg.scatter [tilespmem:s22], [sflag:$0x1], $0x80, v4, vm0, $0xb8;
	[tilespmem:$0x8080] =	vst v63  }
0xa8: {  	_ = 	snop  }
0xa9: {  	[hbm4b:s3+s1] =	stream.indirect_vreg.scatter [tilespmem:s23], [sflag:$0x1], $0x80, v3, vm0, $0xb8;
	[tilespmem:$0x8080] =	vst v63  }
0xaa: {  	v3 =	vld [tilespmem:$0x50];
	_ =	sdelay $0x4  }
0xab: {  	v45 =	vshll.u32 v3, $0x1  }
0xac: {  	v3 =	vand.u32 $0x7, v3;
	v4 =	vand.u32 $0xFFFFFFF0, v45  }
0xad: {  	v3 =	vor.u32 v3, v4  }
0xae: {  	v4 =	vperm.xlane v3, v0;
	_ =	sdelay $0x1  }
0xaf: {  	v3 =	vperm.xlane v3, v2;
	v4 =	vadd.s32 v1, v4;
	_ =	sdelay $0x1  }
0xb0: {  	v3 =	vadd.s32 v1, v3;
	_ =	sdelay $0x2  }
0xb1: {  	[hbm4b:s3+s1] =	stream.indirect_vreg.scatter [tilespmem:s24], [sflag:$0x1], $0x80, v4, vm0, $0xb8;
	[tilespmem:$0x8080] =	vst v63  }
0xb2: {  	_ = 	snop  }
0xb3: {  	[hbm4b:s3+s1] =	stream.indirect_vreg.scatter [tilespmem:s25], [sflag:$0x1], $0x80, v3, vm0, $0xb8;
	[tilespmem:$0x8080] =	vst v63  }
0xb4: {  	v3 =	vld [tilespmem:$0x60];
	_ =	sdelay $0x4  }
0xb5: {  	v46 =	vshll.u32 v3, $0x1  }
0xb6: {  	v3 =	vand.u32 $0x7, v3;
	v4 =	vand.u32 $0xFFFFFFF0, v46  }
0xb7: {  	v3 =	vor.u32 v3, v4  }
0xb8: {  	v4 =	vperm.xlane v3, v0;
	_ =	sdelay $0x1  }
0xb9: {  	v3 =	vperm.xlane v3, v2;
	v4 =	vadd.s32 v1, v4;
	_ =	sdelay $0x1  }
0xba: {  	v3 =	vadd.s32 v1, v3;
	_ =	sdelay $0x2  }
0xbb: {  	[hbm4b:s3+s1] =	stream.indirect_vreg.scatter [tilespmem:s26], [sflag:$0x1], $0x80, v4, vm0, $0xb8;
	[tilespmem:$0x8080] =	vst v63  }
0xbc: {  	_ = 	snop  }
0xbd: {  	[hbm4b:s3+s1] =	stream.indirect_vreg.scatter [tilespmem:s28], [sflag:$0x1], $0x80, v3, vm0, $0xb8;
	[tilespmem:$0x8080] =	vst v63  }
0xbe: {  	v3 =	vld [tilespmem:$0x70];
	_ =	sdelay $0x4  }
0xbf: {  	v47 =	vshll.u32 v3, $0x1  }
0xc0: {  	v3 =	vand.u32 $0x7, v3;
	v4 =	vand.u32 $0xFFFFFFF0, v47  }
0xc1: {  	v3 =	vor.u32 v3, v4  }
0xc2: {  	v4 =	vperm.xlane v3, v0;
	_ =	sdelay $0x1  }
0xc3: {  	v3 =	vperm.xlane v3, v2;
	v4 =	vadd.s32 v1, v4;
	_ =	sdelay $0x1  }
0xc4: {  	v3 =	vadd.s32 v1, v3;
	_ =	sdelay $0x2  }
0xc5: {  	[hbm4b:s3+s1] =	stream.indirect_vreg.scatter [tilespmem:s29], [sflag:$0x1], $0x80, v4, vm0, $0xb8;
	[tilespmem:$0x8080] =	vst v63  }
0xc6: {  	_ = 	snop  }
0xc7: {  	[hbm4b:s3+s1] =	stream.indirect_vreg.scatter [tilespmem:s30], [sflag:$0x1], $0x80, v3, vm0, $0xb8;
	[tilespmem:$0x8080] =	vst v63  }
0xc8: {  	_ =	swait.ge [sflag:s31], $0x8000  }
0xc9: {  	[sflag:s31] =	ssyncset.done $0x0  }
0xca: {  	[sflag:s31] =	ssyncadd.s32 $0xFFFF8000  }
0xcb: {  	[tilespmem:s1], [sflag:$0x2] =	stream.linear.gather [hbm4b:s8+s1], $0x80, $0x38;
	[tilespmem:$0x8080] =	vst v63  }
0xcc: {  	_ =	swait.ge [sflag:s13], $0x80  }
0xcd: {  	[sflag:s13] =	ssyncset.done $0x0  }
0xce: {  	[sflag:s13] =	ssyncadd.s32 $0xFFFFFF80  }
0xcf: {  	[tilespmem:s14], [sflag:$0x2] =	stream.linear.gather [hbm4b:s9+s1], $0x8000, $0x38;
	[tilespmem:$0x8080] =	vst v63  }
0xd0: {  	_ =	swait.ge [sflag:s13], $0x8000  }
0xd1: {  	[sflag:s13] =	ssyncset.done $0x0  }
0xd2: {  	[sflag:s13] =	ssyncadd.s32 $0xFFFF8000  }
0xd3: {  	v3 =	vld [tilespmem:$0x0];
	_ =	sdelay $0x4  }
0xd4: {  	v48 =	vshll.u32 v3, $0x1  }
0xd5: {  	v3 =	vand.u32 $0x7, v3;
	v4 =	vand.u32 $0xFFFFFFF0, v48  }
0xd6: {  	v3 =	vor.u32 v3, v4  }
0xd7: {  	v4 =	vperm.xlane v3, v0;
	_ =	sdelay $0x1  }
0xd8: {  	v3 =	vperm.xlane v3, v2;
	v4 =	vadd.s32 v1, v4;
	_ =	sdelay $0x1  }
0xd9: {  	v3 =	vadd.s32 v1, v3;
	_ =	sdelay $0x2  }
0xda: {  	[hbm4b:s3+s1] =	stream.indirect_vreg.scatter [tilespmem:s14], [sflag:$0x1], $0x80, v4, vm0, $0xb8;
	[tilespmem:$0x8080] =	vst v63  }
0xdb: {  	_ = 	snop  }
0xdc: {  	[hbm4b:s3+s1] =	stream.indirect_vreg.scatter [tilespmem:s15], [sflag:$0x1], $0x80, v3, vm0, $0xb8;
	[tilespmem:$0x8080] =	vst v63  }
0xdd: {  	v3 =	vld [tilespmem:$0x10];
	_ =	sdelay $0x4  }
0xde: {  	v49 =	vshll.u32 v3, $0x1  }
0xdf: {  	v3 =	vand.u32 $0x7, v3;
	v4 =	vand.u32 $0xFFFFFFF0, v49  }
0xe0: {  	v3 =	vor.u32 v3, v4  }
0xe1: {  	v4 =	vperm.xlane v3, v0;
	_ =	sdelay $0x1  }
0xe2: {  	v3 =	vperm.xlane v3, v2;
	v4 =	vadd.s32 v1, v4;
	_ =	sdelay $0x1  }
0xe3: {  	v3 =	vadd.s32 v1, v3;
	_ =	sdelay $0x2  }
0xe4: {  	[hbm4b:s3+s1] =	stream.indirect_vreg.scatter [tilespmem:s16], [sflag:$0x1], $0x80, v4, vm0, $0xb8;
	[tilespmem:$0x8080] =	vst v63  }
0xe5: {  	_ = 	snop  }
0xe6: {  	[hbm4b:s3+s1] =	stream.indirect_vreg.scatter [tilespmem:s17], [sflag:$0x1], $0x80, v3, vm0, $0xb8;
	[tilespmem:$0x8080] =	vst v63  }
0xe7: {  	v3 =	vld [tilespmem:$0x20];
	_ =	sdelay $0x4  }
0xe8: {  	v50 =	vshll.u32 v3, $0x1  }
0xe9: {  	v3 =	vand.u32 $0x7, v3;
	v4 =	vand.u32 $0xFFFFFFF0, v50  }
0xea: {  	v3 =	vor.u32 v3, v4  }
0xeb: {  	v4 =	vperm.xlane v3, v0;
	_ =	sdelay $0x1  }
0xec: {  	v3 =	vperm.xlane v3, v2;
	v4 =	vadd.s32 v1, v4;
	_ =	sdelay $0x1  }
0xed: {  	v3 =	vadd.s32 v1, v3;
	_ =	sdelay $0x2  }
0xee: {  	[hbm4b:s3+s1] =	stream.indirect_vreg.scatter [tilespmem:s18], [sflag:$0x1], $0x80, v4, vm0, $0xb8;
	[tilespmem:$0x8080] =	vst v63  }
0xef: {  	_ = 	snop  }
0xf0: {  	[hbm4b:s3+s1] =	stream.indirect_vreg.scatter [tilespmem:s19], [sflag:$0x1], $0x80, v3, vm0, $0xb8;
	[tilespmem:$0x8080] =	vst v63  }
0xf1: {  	v3 =	vld [tilespmem:$0x30];
	_ =	sdelay $0x4  }
0xf2: {  	v51 =	vshll.u32 v3, $0x1  }
0xf3: {  	v3 =	vand.u32 $0x7, v3;
	v4 =	vand.u32 $0xFFFFFFF0, v51  }
0xf4: {  	v3 =	vor.u32 v3, v4  }
0xf5: {  	v4 =	vperm.xlane v3, v0;
	_ =	sdelay $0x1  }
0xf6: {  	v3 =	vperm.xlane v3, v2;
	v4 =	vadd.s32 v1, v4;
	_ =	sdelay $0x1  }
0xf7: {  	v3 =	vadd.s32 v1, v3;
	_ =	sdelay $0x2  }
0xf8: {  	[hbm4b:s3+s1] =	stream.indirect_vreg.scatter [tilespmem:s20], [sflag:$0x1], $0x80, v4, vm0, $0xb8;
	[tilespmem:$0x8080] =	vst v63  }
0xf9: {  	_ = 	snop  }
0xfa: {  	[hbm4b:s3+s1] =	stream.indirect_vreg.scatter [tilespmem:s21], [sflag:$0x1], $0x80, v3, vm0, $0xb8;
	[tilespmem:$0x8080] =	vst v63  }
0xfb: {  	v3 =	vld [tilespmem:$0x40];
	_ =	sdelay $0x4  }
0xfc: {  	v52 =	vshll.u32 v3, $0x1  }
0xfd: {  	v3 =	vand.u32 $0x7, v3;
	v4 =	vand.u32 $0xFFFFFFF0, v52  }
0xfe: {  	v3 =	vor.u32 v3, v4  }
0xff: {  	v4 =	vperm.xlane v3, v0;
	_ =	sdelay $0x1  }
0x100: {  	v3 =	vperm.xlane v3, v2;
	v4 =	vadd.s32 v1, v4;
	_ =	sdelay $0x1  }
0x101: {  	v3 =	vadd.s32 v1, v3;
	_ =	sdelay $0x2  }
0x102: {  	[hbm4b:s3+s1] =	stream.indirect_vreg.scatter [tilespmem:s22], [sflag:$0x1], $0x80, v4, vm0, $0xb8;
	[tilespmem:$0x8080] =	vst v63  }
0x103: {  	_ = 	snop  }
0x104: {  	[hbm4b:s3+s1] =	stream.indirect_vreg.scatter [tilespmem:s23], [sflag:$0x1], $0x80, v3, vm0, $0xb8;
	[tilespmem:$0x8080] =	vst v63  }
0x105: {  	v3 =	vld [tilespmem:$0x50];
	_ =	sdelay $0x4  }
0x106: {  	v53 =	vshll.u32 v3, $0x1  }
0x107: {  	v3 =	vand.u32 $0x7, v3;
	v4 =	vand.u32 $0xFFFFFFF0, v53  }
0x108: {  	v3 =	vor.u32 v3, v4  }
0x109: {  	v4 =	vperm.xlane v3, v0;
	_ =	sdelay $0x1  }
0x10a: {  	v3 =	vperm.xlane v3, v2;
	v4 =	vadd.s32 v1, v4;
	_ =	sdelay $0x1  }
0x10b: {  	v3 =	vadd.s32 v1, v3;
	_ =	sdelay $0x2  }
0x10c: {  	[hbm4b:s3+s1] =	stream.indirect_vreg.scatter [tilespmem:s24], [sflag:$0x1], $0x80, v4, vm0, $0xb8;
	[tilespmem:$0x8080] =	vst v63  }
0x10d: {  	_ = 	snop  }
0x10e: {  	[hbm4b:s3+s1] =	stream.indirect_vreg.scatter [tilespmem:s25], [sflag:$0x1], $0x80, v3, vm0, $0xb8;
	[tilespmem:$0x8080] =	vst v63  }
0x10f: {  	v3 =	vld [tilespmem:$0x60];
	_ =	sdelay $0x4  }
0x110: {  	v54 =	vshll.u32 v3, $0x1  }
0x111: {  	v3 =	vand.u32 $0x7, v3;
	v4 =	vand.u32 $0xFFFFFFF0, v54  }
0x112: {  	v3 =	vor.u32 v3, v4  }
0x113: {  	v4 =	vperm.xlane v3, v0;
	_ =	sdelay $0x1  }
0x114: {  	v3 =	vperm.xlane v3, v2;
	v4 =	vadd.s32 v1, v4;
	_ =	sdelay $0x1  }
0x115: {  	v3 =	vadd.s32 v1, v3;
	_ =	sdelay $0x2  }
0x116: {  	[hbm4b:s3+s1] =	stream.indirect_vreg.scatter [tilespmem:s26], [sflag:$0x1], $0x80, v4, vm0, $0xb8;
	[tilespmem:$0x8080] =	vst v63  }
0x117: {  	_ = 	snop  }
0x118: {  	[hbm4b:s3+s1] =	stream.indirect_vreg.scatter [tilespmem:s28], [sflag:$0x1], $0x80, v3, vm0, $0xb8;
	[tilespmem:$0x8080] =	vst v63  }
0x119: {  	v3 =	vld [tilespmem:$0x70];
	_ =	sdelay $0x4  }
0x11a: {  	v55 =	vshll.u32 v3, $0x1  }
0x11b: {  	v3 =	vand.u32 $0x7, v3;
	v4 =	vand.u32 $0xFFFFFFF0, v55  }
0x11c: {  	v3 =	vor.u32 v3, v4  }
0x11d: {  	v4 =	vperm.xlane v3, v0;
	_ =	sdelay $0x1  }
0x11e: {  	v3 =	vperm.xlane v3, v2;
	v4 =	vadd.s32 v1, v4;
	_ =	sdelay $0x1  }
0x11f: {  	v3 =	vadd.s32 v1, v3;
	_ =	sdelay $0x2  }
0x120: {  	[hbm4b:s3+s1] =	stream.indirect_vreg.scatter [tilespmem:s29], [sflag:$0x1], $0x80, v4, vm0, $0xb8;
	[tilespmem:$0x8080] =	vst v63  }
0x121: {  	_ = 	snop  }
0x122: {  	[hbm4b:s3+s1] =	stream.indirect_vreg.scatter [tilespmem:s30], [sflag:$0x1], $0x80, v3, vm0, $0xb8;
	[tilespmem:$0x8080] =	vst v63  }
0x123: {  	_ =	swait.ge [sflag:s31], $0x8000  }
0x124: {  	[sflag:s31] =	ssyncset.done $0x0  }
0x125: {  	[sflag:s31] =	ssyncadd.s32 $0xFFFF8000  }
0x126: {  	[tilespmem:s1], [sflag:$0x2] =	stream.linear.gather [hbm4b:s10+s1], $0x80, $0x38;
	[tilespmem:$0x8080] =	vst v63  }
0x127: {  	_ =	swait.ge [sflag:s13], $0x80  }
0x128: {  	[sflag:s13] =	ssyncset.done $0x0  }
0x129: {  	[sflag:s13] =	ssyncadd.s32 $0xFFFFFF80  }
0x12a: {  	[tilespmem:s14], [sflag:$0x2] =	stream.linear.gather [hbm4b:s11+s1], $0x8000, $0x38;
	[tilespmem:$0x8080] =	vst v63  }
0x12b: {  	_ =	swait.ge [sflag:s13], $0x8000  }
0x12c: {  	[sflag:s13] =	ssyncset.done $0x0  }
0x12d: {  	[sflag:s13] =	ssyncadd.s32 $0xFFFF8000  }
0x12e: {  	v3 =	vld [tilespmem:$0x0];
	_ =	sdelay $0x4  }
0x12f: {  	v56 =	vshll.u32 v3, $0x1  }
0x130: {  	v3 =	vand.u32 $0x7, v3;
	v4 =	vand.u32 $0xFFFFFFF0, v56  }
0x131: {  	v3 =	vor.u32 v3, v4  }
0x132: {  	v4 =	vperm.xlane v3, v0;
	_ =	sdelay $0x1  }
0x133: {  	v3 =	vperm.xlane v3, v2;
	v4 =	vadd.s32 v1, v4;
	_ =	sdelay $0x1  }
0x134: {  	v3 =	vadd.s32 v1, v3;
	_ =	sdelay $0x2  }
0x135: {  	[hbm4b:s3+s1] =	stream.indirect_vreg.scatter [tilespmem:s14], [sflag:$0x1], $0x80, v4, vm0, $0xb8;
	[tilespmem:$0x8080] =	vst v63  }
0x136: {  	_ = 	snop  }
0x137: {  	[hbm4b:s3+s1] =	stream.indirect_vreg.scatter [tilespmem:s15], [sflag:$0x1], $0x80, v3, vm0, $0xb8;
	[tilespmem:$0x8080] =	vst v63  }
0x138: {  	v3 =	vld [tilespmem:$0x10];
	_ =	sdelay $0x4  }
0x139: {  	v57 =	vshll.u32 v3, $0x1  }
0x13a: {  	v3 =	vand.u32 $0x7, v3;
	v4 =	vand.u32 $0xFFFFFFF0, v57  }
0x13b: {  	v3 =	vor.u32 v3, v4  }
0x13c: {  	v4 =	vperm.xlane v3, v0;
	_ =	sdelay $0x1  }
0x13d: {  	v3 =	vperm.xlane v3, v2;
	v4 =	vadd.s32 v1, v4;
	_ =	sdelay $0x1  }
0x13e: {  	v3 =	vadd.s32 v1, v3;
	_ =	sdelay $0x2  }
0x13f: {  	[hbm4b:s3+s1] =	stream.indirect_vreg.scatter [tilespmem:s16], [sflag:$0x1], $0x80, v4, vm0, $0xb8;
	[tilespmem:$0x8080] =	vst v63  }
0x140: {  	_ = 	snop  }
0x141: {  	[hbm4b:s3+s1] =	stream.indirect_vreg.scatter [tilespmem:s17], [sflag:$0x1], $0x80, v3, vm0, $0xb8;
	[tilespmem:$0x8080] =	vst v63  }
0x142: {  	v3 =	vld [tilespmem:$0x20];
	_ =	sdelay $0x4  }
0x143: {  	v58 =	vshll.u32 v3, $0x1  }
0x144: {  	v3 =	vand.u32 $0x7, v3;
	v4 =	vand.u32 $0xFFFFFFF0, v58  }
0x145: {  	v3 =	vor.u32 v3, v4  }
0x146: {  	v4 =	vperm.xlane v3, v0;
	_ =	sdelay $0x1  }
0x147: {  	v3 =	vperm.xlane v3, v2;
	v4 =	vadd.s32 v1, v4;
	_ =	sdelay $0x1  }
0x148: {  	v3 =	vadd.s32 v1, v3;
	_ =	sdelay $0x2  }
0x149: {  	[hbm4b:s3+s1] =	stream.indirect_vreg.scatter [tilespmem:s18], [sflag:$0x1], $0x80, v4, vm0, $0xb8;
	[tilespmem:$0x8080] =	vst v63  }
0x14a: {  	_ = 	snop  }
0x14b: {  	[hbm4b:s3+s1] =	stream.indirect_vreg.scatter [tilespmem:s19], [sflag:$0x1], $0x80, v3, vm0, $0xb8;
	[tilespmem:$0x8080] =	vst v63  }
0x14c: {  	v3 =	vld [tilespmem:$0x30];
	_ =	sdelay $0x4  }
0x14d: {  	v59 =	vshll.u32 v3, $0x1  }
0x14e: {  	v3 =	vand.u32 $0x7, v3;
	v4 =	vand.u32 $0xFFFFFFF0, v59  }
0x14f: {  	v3 =	vor.u32 v3, v4  }
0x150: {  	v4 =	vperm.xlane v3, v0;
	_ =	sdelay $0x1  }
0x151: {  	v3 =	vperm.xlane v3, v2;
	v4 =	vadd.s32 v1, v4;
	_ =	sdelay $0x1  }
0x152: {  	v3 =	vadd.s32 v1, v3;
	_ =	sdelay $0x2  }
0x153: {  	[hbm4b:s3+s1] =	stream.indirect_vreg.scatter [tilespmem:s20], [sflag:$0x1], $0x80, v4, vm0, $0xb8;
	[tilespmem:$0x8080] =	vst v63  }
0x154: {  	_ = 	snop  }
0x155: {  	[hbm4b:s3+s1] =	stream.indirect_vreg.scatter [tilespmem:s21], [sflag:$0x1], $0x80, v3, vm0, $0xb8;
	[tilespmem:$0x8080] =	vst v63  }
0x156: {  	v3 =	vld [tilespmem:$0x40];
	_ =	sdelay $0x4  }
0x157: {  	v60 =	vshll.u32 v3, $0x1  }
0x158: {  	v3 =	vand.u32 $0x7, v3;
	v4 =	vand.u32 $0xFFFFFFF0, v60  }
0x159: {  	v3 =	vor.u32 v3, v4  }
0x15a: {  	v4 =	vperm.xlane v3, v0;
	_ =	sdelay $0x1  }
0x15b: {  	v3 =	vperm.xlane v3, v2;
	v4 =	vadd.s32 v1, v4;
	_ =	sdelay $0x1  }
0x15c: {  	v3 =	vadd.s32 v1, v3;
	_ =	sdelay $0x2  }
0x15d: {  	[hbm4b:s3+s1] =	stream.indirect_vreg.scatter [tilespmem:s22], [sflag:$0x1], $0x80, v4, vm0, $0xb8;
	[tilespmem:$0x8080] =	vst v63  }
0x15e: {  	_ = 	snop  }
0x15f: {  	[hbm4b:s3+s1] =	stream.indirect_vreg.scatter [tilespmem:s23], [sflag:$0x1], $0x80, v3, vm0, $0xb8;
	[tilespmem:$0x8080] =	vst v63  }
0x160: {  	v3 =	vld [tilespmem:$0x50];
	_ =	sdelay $0x4  }
0x161: {  	v61 =	vshll.u32 v3, $0x1  }
0x162: {  	v3 =	vand.u32 $0x7, v3;
	v4 =	vand.u32 $0xFFFFFFF0, v61  }
0x163: {  	v3 =	vor.u32 v3, v4  }
0x164: {  	v4 =	vperm.xlane v3, v0;
	_ =	sdelay $0x1  }
0x165: {  	v3 =	vperm.xlane v3, v2;
	v4 =	vadd.s32 v1, v4;
	_ =	sdelay $0x1  }
0x166: {  	v3 =	vadd.s32 v1, v3;
	_ =	sdelay $0x2  }
0x167: {  	[hbm4b:s3+s1] =	stream.indirect_vreg.scatter [tilespmem:s24], [sflag:$0x1], $0x80, v4, vm0, $0xb8;
	[tilespmem:$0x8080] =	vst v63  }
0x168: {  	_ = 	snop  }
0x169: {  	[hbm4b:s3+s1] =	stream.indirect_vreg.scatter [tilespmem:s25], [sflag:$0x1], $0x80, v3, vm0, $0xb8;
	[tilespmem:$0x8080] =	vst v63  }
0x16a: {  	v3 =	vld [tilespmem:$0x60];
	_ =	sdelay $0x4  }
0x16b: {  	v62 =	vshll.u32 v3, $0x1  }
0x16c: {  	v3 =	vand.u32 $0x7, v3;
	v4 =	vand.u32 $0xFFFFFFF0, v62  }
0x16d: {  	v3 =	vor.u32 v3, v4  }
0x16e: {  	v4 =	vperm.xlane v3, v0;
	_ =	sdelay $0x1  }
0x16f: {  	v3 =	vperm.xlane v3, v2;
	v4 =	vadd.s32 v1, v4;
	_ =	sdelay $0x1  }
0x170: {  	v3 =	vadd.s32 v1, v3;
	_ =	sdelay $0x2  }
0x171: {  	[hbm4b:s3+s1] =	stream.indirect_vreg.scatter [tilespmem:s26], [sflag:$0x1], $0x80, v4, vm0, $0xb8;
	[tilespmem:$0x8080] =	vst v63  }
0x172: {  	_ = 	snop  }
0x173: {  	[hbm4b:s3+s1] =	stream.indirect_vreg.scatter [tilespmem:s28], [sflag:$0x1], $0x80, v3, vm0, $0xb8;
	[tilespmem:$0x8080] =	vst v63  }
0x174: {  	v3 =	vld [tilespmem:$0x70];
	_ =	sdelay $0x4  }
0x175: {  	v63 =	vshll.u32 v3, $0x1  }
0x176: {  	v3 =	vand.u32 $0x7, v3;
	v4 =	vand.u32 $0xFFFFFFF0, v63  }
0x177: {  	v3 =	vor.u32 v3, v4  }
0x178: {  	v4 =	vperm.xlane v3, v0;
	_ =	sdelay $0x1  }
0x179: {  	v3 =	vperm.xlane v3, v2;
	v4 =	vadd.s32 v1, v4;
	_ =	sdelay $0x1  }
0x17a: {  	v3 =	vadd.s32 v1, v3;
	_ =	sdelay $0x1  }
0x17b: {  	p0 =	sne.s32 s12, $0x1  }
0x17c: {  	[hbm4b:s3+s1] =	stream.indirect_vreg.scatter [tilespmem:s29], [sflag:$0x1], $0x80, v4, vm0, $0xb8;
	[tilespmem:$0x8080] =	vst v63  }
.Ltmp0:
0x17d: {  	_ = 	snop;
	(pc) =	sbr.rel @p0 .LBB2_1-.Ltmp0, $4  }
0x17e: {  	[hbm4b:s3+s1] =	stream.indirect_vreg.scatter [tilespmem:s30], [sflag:$0x1], $0x80, v3, vm0, $0xb8;
	[tilespmem:$0x8080] =	vst v63  }
0x17f: {  	_ =	swait.ge [sflag:s31], $0x8000  }
0x180: {  	[sflag:s31] =	ssyncset.done $0x0  }
0x181: {  	s12 =	sadd.s32 $0xFFFFFFFF, s12;
	[sflag:s31] =	ssyncadd.s32 $0xFFFF8000  }
0x182: {  	_ =	sfence.sel $0x180000  }
0x183: {  	[bflag:$0x0] =	sbarrier.arrive $0xFFFF  }
0x184: {  	p0 =	sne.s32 s2, $0x0;
	_ =	strace $0x90000047  }
0x185: {  	s0 =	sadd.s32 @!p0 $0x100000, s0;
	[bflag:$0x2] =	sbarrier.arrive $0xFFFF  }
0x186: {  	[sflag:s0] =	ssyncadd.tile.s32 @!p0 $0x1;
	_ =	shalt  }
.Lfunc_end2:
_tile_overlayer_lowered:
.L_overlay_start_2:
0x187: {  	(tag) =	ssettag $0x2  }
0x188: {  	s0 =	rddreg [dreg:$0x0];
	s2 =	stileid.u32  }
0x189: {  	s1 =	rddreg [dreg:$0x1];
	p0 =	sne.s32 s2, $0x0  }
0x18a: {  	s3 =	rddreg [dreg:$0x2];
	[bflag:$0x3] =	sbarrier.arrive $0xFFFF;
	s2 =	simm.s32 @!p0 $0x1C02  }
0x18b: {  	[timem:s3], [sflag:s2] =	dma.local @!p0 [hbm:s0], s1  }
0x18c: {  	s0 =	simm.s32 @!p0 $0x2  }
0x18d: {  	_ =	swait.ge @!p0 [sflag:s0], s1  }
0x18e: {  	s1 =	ssub.s32 @!p0 $0x0, s1;
	[sflag:s0] =	ssyncset.done @!p0 $0x0  }
0x18f: {  	[sflag:s0] =	ssyncadd.s32 @!p0 s1  }
0x190: {  	[bflag:$0x3] =	sbarrier.arrive $0xFFFF  }
0x191: {  	_ =	shalt  }

</sc_bundles>
